<compile_context>
chip_gen: v7x
topology: tpu7x:2x2x1
jax: 0.10.2.dev20260603
libtpu: 0.0.44.dev20260713+nightly
codegen_flags: <defaults>
</compile_context>

<pallas_src>
import functools

import jax
import jax.numpy as jnp
from jax import lax
from jax.experimental import pallas as pl
from jax.experimental.pallas import tpu as pltpu
from jax.experimental.pallas import tpu_sc as plsc

N = 10000
E = 320000
D = 128
NT = 16
ALPHA = 10.0

C = 128
NC = 2
NS = 16
NW = NC * NS
NCHUNKP = 2560
E_PAD = NCHUNKP * C
TRIPS = NCHUNKP // NW
NCHUNK = E // C
ZIDX = NT * N
RBLK = 5000


def _sc_mesh():
    return plsc.VectorSubcoreMesh(core_axis_name="c", subcore_axis_name="s")


@functools.partial(
    pl.kernel,
    mesh=_sc_mesh(),
    out_type=(
        jax.ShapeDtypeStruct((NCHUNKP, 2, C), jnp.int32),
        jax.ShapeDtypeStruct((N,), jnp.float32),
        jax.ShapeDtypeStruct((N,), jnp.float32),
    ),
    scratch_types=[
        pltpu.VMEM((16,), jnp.float32),
        pltpu.VMEM((TRIPS, C), jnp.int32),
        pltpu.VMEM((TRIPS, C), jnp.int32),
        pltpu.VMEM((TRIPS, 2, C), jnp.int32),
        pltpu.VMEM((TRIPS, C), jnp.float32),
        pltpu.VMEM((N,), jnp.float32),
        pltpu.VMEM_SHARED((N,), jnp.float32),
        pltpu.SemaphoreType.DMA,
    ],
)
def _sc_deg(ew_hbm, ef_hbm, src_hbm, dst_hbm, pair_hbm, deg0_hbm, deg1_hbm,
            ew_v, ef_b, src_b, comb_b, c_b, degbuf_v, deg_sh, sem):
    cid = lax.axis_index("c")
    sid = lax.axis_index("s")
    wid = sid * NC + cid
    row0 = wid * TRIPS

    ld_ef = pltpu.async_copy(ef_hbm.at[pl.ds(row0, TRIPS)], ef_b, sem)
    ld_src = pltpu.async_copy(src_hbm.at[pl.ds(row0, TRIPS)], src_b, sem)
    ld_dst = pltpu.async_copy(dst_hbm.at[pl.ds(row0, TRIPS)], comb_b.at[:, 1],
                              sem)

    pltpu.sync_copy(ew_hbm, ew_v)
    t = ew_v[...] * ALPHA
    tbl16 = jnp.where(t >= 0.0, t, t * 0.01)

    @pl.when(sid == 0)
    def _zero_deg():
        def zbody(i, carry):
            degbuf_v[pl.ds(i * 16, 16)] = jnp.zeros((16,), jnp.float32)
            return carry
        lax.fori_loop(0, N // 16, zbody, 0)
        pltpu.sync_copy(degbuf_v, deg_sh)

    ld_ef.wait()
    ld_src.wait()
    ld_dst.wait()

    def cbody(r, carry):
        m_i = ((row0 + r) < NCHUNK).astype(jnp.int32)
        m_f = m_i.astype(jnp.float32)
        for g in range(C // 16):
            sl = pl.ds(g * 16, 16)
            k16 = (ef_b[r, sl] + (NT - 1)) & (NT - 1)
            comb_b[r, 0, sl] = (m_i * (k16 * N) + (1 - m_i) * ZIDX) + src_b[r, sl]
            cg = tbl16.at[k16].get(mode="promise_in_bounds")
            c_b[r, sl] = m_f * cg
        return carry
    lax.fori_loop(0, TRIPS, cbody, 0)

    pltpu.sync_copy(comb_b, pair_hbm.at[pl.ds(row0, TRIPS)])

    plsc.subcore_barrier()

    def sgroup(g2, carry):
        for r8 in range(8):
            r = g2 * 8 + r8
            pltpu.async_copy(c_b.at[r], deg_sh.at[comb_b.at[r, 1]], sem,
                             add=True)
        for r8 in range(8):
            r = g2 * 8 + r8
            pltpu.make_async_copy(c_b.at[r], deg_sh.at[comb_b.at[r, 1]],
                                  sem).wait()
        return carry
    lax.fori_loop(0, TRIPS // 8, sgroup, 0)

    plsc.subcore_barrier()

    @pl.when(sid == 0)
    def _write_deg():
        pltpu.sync_copy(deg_sh, degbuf_v)

        @pl.when(cid == 0)
        def _w0():
            pltpu.sync_copy(degbuf_v, deg0_hbm)

        @pl.when(cid == 1)
        def _w1():
            pltpu.sync_copy(degbuf_v, deg1_hbm)


@functools.partial(
    pl.kernel,
    mesh=_sc_mesh(),
    out_type=jax.ShapeDtypeStruct((NC, N, D), jnp.float32),
    scratch_types=[
        pltpu.VMEM((2, C), jnp.int32),
        pltpu.VMEM((2, C), jnp.int32),
        pltpu.VMEM((2, C), jnp.int32),
        pltpu.VMEM((C, D), jnp.float32),
        pltpu.VMEM((C, D), jnp.float32),
        pltpu.VMEM((C, D), jnp.float32),
        pltpu.VMEM_SHARED((N, D), jnp.float32),
        pltpu.SemaphoreType.DMA,
        pltpu.SemaphoreType.DMA,
        pltpu.SemaphoreType.DMA,
        pltpu.SemaphoreType.DMA,
        pltpu.SemaphoreType.DMA,
        pltpu.SemaphoreType.DMA,
    ],
)
def _sc_msg(zblk_hbm, pair_hbm, h16_hbm, part_hbm,
            pr0, pr1, pr2, rows0, rows1, rows2, acc_sh,
            gsem0, gsem1, gsem2, ssem0, ssem1, ssem2):
    cid = lax.axis_index("c")
    sid = lax.axis_index("s")
    wid = sid * NC + cid
    base = wid * TRIPS

    @pl.when(sid < 10)
    def _zero_acc():
        pltpu.sync_copy(zblk_hbm, acc_sh.at[pl.ds(sid * 1000, 1000)])

    plsc.subcore_barrier()

    rbufs = ((pr0, rows0, gsem0, ssem0),
             (pr1, rows1, gsem1, ssem1),
             (pr2, rows2, gsem2, ssem2))

    pltpu.sync_copy(pair_hbm.at[base], pr0)
    pltpu.async_copy(h16_hbm.at[pr0.at[0]], rows0, gsem0)
    pltpu.sync_copy(pair_hbm.at[base + 1], pr1)
    pltpu.async_copy(h16_hbm.at[pr1.at[0]], rows1, gsem1)

    def lbody(t3, carry):
        for b in (0, 1, 2):
            cpr, crows, cgsem, cssem = rbufs[b]
            npr, nrows, ngsem, nssem = rbufs[(b + 2) % 3]
            t = t3 * 3 + b

            pltpu.make_async_copy(h16_hbm.at[cpr.at[0]], crows, cgsem).wait()
            pltpu.async_copy(crows, acc_sh.at[cpr.at[1]], cssem, add=True)

            @pl.when(t >= 1)
            def _drain():
                pltpu.make_async_copy(nrows, acc_sh.at[npr.at[1]], nssem).wait()
            pltpu.sync_copy(pair_hbm.at[base + t + 2], npr)
            pltpu.async_copy(h16_hbm.at[npr.at[0]], nrows, ngsem)
        return carry
    lax.fori_loop(0, (TRIPS - 2) // 3, lbody, 0)

    pltpu.make_async_copy(h16_hbm.at[pr0.at[0]], rows0, gsem0).wait()
    pltpu.async_copy(rows0, acc_sh.at[pr0.at[1]], ssem0, add=True)
    pltpu.make_async_copy(h16_hbm.at[pr1.at[0]], rows1, gsem1).wait()
    pltpu.async_copy(rows1, acc_sh.at[pr1.at[1]], ssem1, add=True)

    pltpu.make_async_copy(rows2, acc_sh.at[pr2.at[1]], ssem2).wait()
    pltpu.make_async_copy(rows0, acc_sh.at[pr0.at[1]], ssem0).wait()
    pltpu.make_async_copy(rows1, acc_sh.at[pr1.at[1]], ssem1).wait()
    plsc.subcore_barrier()

    @pl.when(sid < 10)
    def _write_part():
        r0 = sid * 1000
        pltpu.sync_copy(acc_sh.at[pl.ds(r0, 1000)],
                        part_hbm.at[cid, pl.ds(r0, 1000)])


def _k2_body(ew_ref, deg_ref, feat_ref, out_ref):
    k = pl.program_id(1)
    t = ew_ref[...] * ALPHA
    tbl = jnp.where(t >= 0.0, t, t * 0.01)
    kk = lax.broadcasted_iota(jnp.int32, (NT, 1), 0)
    ew_k = jnp.sum(jnp.where(kk == k, tbl, 0.0))
    d = deg_ref[:, 0:1] + deg_ref[:, 1:2]
    norm = lax.rsqrt(jnp.maximum(d, 1.0))
    out_ref[...] = feat_ref[...] * norm * ew_k


def _k2_call(ew2, deg_t, feat):
    K2BLK = N
    return pl.pallas_call(
        _k2_body,
        grid=(N // K2BLK, NT + 1),
        in_specs=[
            pl.BlockSpec((NT, 1), lambda i, k: (0, 0)),
            pl.BlockSpec((K2BLK, 2), lambda i, k: (i, 0)),
            pl.BlockSpec((K2BLK, D), lambda i, k: (i, 0)),
        ],
        out_specs=pl.BlockSpec((K2BLK, D), lambda i, k: (k * (N // K2BLK) + i, 0)),
        out_shape=jax.ShapeDtypeStruct(((NT + 1) * N, D), jnp.float32),
    )(ew2, deg_t, feat)


def _k4_body(part_ref, deg_ref, w_ref, b_ref, out_ref):
    p = part_ref[0] + part_ref[1]
    d = deg_ref[:, 0:1] + deg_ref[:, 1:2]
    norm = lax.rsqrt(jnp.maximum(d, 1.0))
    x = p * norm
    out_ref[...] = (
        jnp.dot(x, w_ref[...], preferred_element_type=jnp.float32) + b_ref[...]
    )


def _k4_call(part, deg_t, w, b2):
    return pl.pallas_call(
        _k4_body,
        grid=(N // RBLK,),
        in_specs=[
            pl.BlockSpec((NC, RBLK, D), lambda i: (0, i, 0)),
            pl.BlockSpec((RBLK, 2), lambda i: (i, 0)),
            pl.BlockSpec((D, D), lambda i: (0, 0)),
            pl.BlockSpec((1, D), lambda i: (0, 0)),
        ],
        out_specs=pl.BlockSpec((RBLK, D), lambda i: (i, 0)),
        out_shape=jax.ShapeDtypeStruct((N, D), jnp.float32),
    )(part, deg_t, w, b2)


def kernel(feat, e_feat, edge_index, W_apply, b_apply, edge_weight):
    src = edge_index[0]
    dst = edge_index[1]
    ew_flat = edge_weight.reshape(NT)

    pad = E_PAD - E
    ipad = jnp.zeros((pad,), jnp.int32)
    dpad = jnp.arange(pad, dtype=jnp.int32) % N
    ef2 = jnp.concatenate([e_feat, ipad]).reshape(NCHUNKP, C)
    src2 = jnp.concatenate([src, dpad]).reshape(NCHUNKP, C)
    dst2 = jnp.concatenate([dst, dpad]).reshape(NCHUNKP, C)

    pair, deg0, deg1 = _sc_deg(ew_flat, ef2, src2, dst2)
    deg_t = jnp.stack([deg0, deg1], axis=-1)
    h16 = _k2_call(edge_weight, deg_t, feat)
    zblk = jnp.zeros((1000, D), jnp.float32)
    part = _sc_msg(zblk, pair, h16)
    out = _k4_call(part, deg_t, W_apply, b_apply.reshape(1, D))
    return out

# --- scband reference (transcript-rebuilt; emitter-appended) ---
"""Pipeline reference for scband-reginconv-23553600651700 (READ-ONLY COPY).

The authoritative reference and input builder live on the scoring server;
editing this copy changes nothing except your own understanding.
"""

import jax, jax.numpy as jnp
import numpy as np

N = 10000
E = 320000
D = 128
NUM_ETYPES = 16
ALPHA = 10.0


def setup_inputs(seed: int = 0) -> dict:
    key = jax.random.key(seed)
    k1, k2, k3, k4 = jax.random.split(key, 4)
    feat = jax.random.normal(k1, (N, D), dtype=jnp.float32)
    edge_index = jax.random.randint(k2, (2, E), 0, N, dtype=jnp.int32)
    e_feat = jax.random.randint(k3, (E,), 0, NUM_ETYPES, dtype=jnp.int32)
    # apply_func materialized as a Linear(D, D)
    W_apply = jax.random.normal(k4, (D, D), dtype=jnp.float32) * (1.0 / np.sqrt(D))
    b_apply = jnp.zeros((D,), dtype=jnp.float32)
    # edge_weight param, init constant 1/alpha (reset_parameters)
    edge_weight = jnp.full((NUM_ETYPES, 1), 1.0 / ALPHA, dtype=jnp.float32)
    return {"feat": feat, "e_feat": e_feat, "edge_index": edge_index,
            "W_apply": W_apply, "b_apply": b_apply, "edge_weight": edge_weight}


def reference(feat, e_feat, edge_index, W_apply, b_apply, edge_weight):
    num_nodes = feat.shape[0]
    # edge_weight * alpha, LeakyReLU (default negative_slope=0.01)
    ew = jax.nn.leaky_relu(edge_weight * ALPHA, negative_slope=0.01)  # [NUM_ETYPES, 1]
    # ew per edge, indexed by (e_feat - 1); e_feat==0 -> index -1 wraps (same as torch)
    ew_e = ew[e_feat - 1]  # [E, 1]
    src = edge_index[0]
    dst = edge_index[1]
    # update_all(u_mul_e('nones','ew'), sum) -> per-dst sum of edge weights
    norm = jnp.zeros((num_nodes, 1), dtype=feat.dtype).at[dst].add(ew_e)
    norm = jnp.power(jnp.clip(jnp.squeeze(norm, axis=-1), 1.0, None), -0.5)  # [N]
    norm = norm.reshape((num_nodes,) + (1,) * (feat.ndim - 1))  # [N, 1]
    # srcdata['h'] = feat_src * norm
    h = feat * norm
    # update_all(u_mul_e('h','ew'), sum)
    m = h[src] * ew_e  # gather src features, scale by edge weight
    rst = jnp.zeros_like(feat).at[dst].add(m)  # scatter-add to dst
    rst = rst * norm
    # apply_func: Linear(D, D)
    rst = rst @ W_apply + b_apply
    # activation is None
    return rst

if __name__ == "__main__":
    import jax
    _d = setup_inputs()
    print(jax.jit(kernel)(*tuple(_d.values())))

</pallas_src>

<mosaic_0001>
#map = affine_map<(d0, d1) -> (0)>
#map1 = affine_map<(d0, d1) -> (0, 0)>
#map2 = affine_map<(d0, d1) -> (0, 0, 0)>
module attributes {stable_mosaic.version = 14 : i64} {
  func.func @_sc_deg(%arg0: i32, %arg1: i32, %arg2: memref<16xf32, #tpu.memory_space<hbm>>, %arg3: memref<2560x128xi32, #tpu.memory_space<hbm>>, %arg4: memref<2560x128xi32, #tpu.memory_space<hbm>>, %arg5: memref<2560x128xi32, #tpu.memory_space<hbm>>, %arg6: memref<2560x2x128xi32, #tpu.memory_space<hbm>>, %arg7: memref<10000xf32, #tpu.memory_space<hbm>>, %arg8: memref<10000xf32, #tpu.memory_space<hbm>>, %arg9: memref<16xf32, #tpu.memory_space<vmem>>, %arg10: memref<80x128xi32, #tpu.memory_space<vmem>>, %arg11: memref<80x128xi32, #tpu.memory_space<vmem>>, %arg12: memref<80x2x128xi32, #tpu.memory_space<vmem>>, %arg13: memref<80x128xf32, #tpu.memory_space<vmem>>, %arg14: memref<10000xf32, #tpu.memory_space<vmem>>, %arg15: memref<10000xf32, #tpu.memory_space<vmem_shared>>, %arg16: memref<!tpu.dma_semaphore, #tpu.memory_space<semaphore_mem>>) attributes {dimension_semantics = [#tpu.dimension_semantics<core_parallel>, #tpu.dimension_semantics<subcore_parallel>], iteration_bounds = array<i64: 2, 16>, scalar_prefetch = 0 : i64, scratch_operands = 8 : i64, tpu.core_type = #tpu.core_type<sc_vector_subcore>, window_params = [{transform_indices = #map}, {transform_indices = #map1}, {transform_indices = #map1}, {transform_indices = #map1}, {transform_indices = #map2}, {transform_indices = #map}, {transform_indices = #map}]} {
    %mul3A = arith.constant 2 : i32
    %mul3A_0 = arith.muli %arg1, %mul3A : i32
    %add3A = arith.addi %mul3A_0, %arg0 : i32
    %mul3A_1 = arith.constant 80 : i32
    %mul3A_2 = arith.muli %add3A, %mul3A_1 : i32
    %dma_start3A = arith.constant 0 : i32
    %dma_start3A_3 = tpu.memref_slice %arg3[%mul3A_2, %dma_start3A] : memref<2560x128xi32, #tpu.memory_space<hbm>> -> memref<80x128xi32, #tpu.memory_space<hbm>>
    %dma_start3A_4 = arith.constant 0 : i32
    %dma_start3A_5 = tpu.memref_slice %arg3[%mul3A_2, %dma_start3A_4] : memref<2560x128xi32, #tpu.memory_space<hbm>> -> memref<80x128xi32, #tpu.memory_space<hbm>>
    tpu.enqueue_dma source(%dma_start3A_5 : memref<80x128xi32, #tpu.memory_space<hbm>>) target(%arg10 : memref<80x128xi32, #tpu.memory_space<vmem>>) target_semaphore(%arg16 : memref<!tpu.dma_semaphore, #tpu.memory_space<semaphore_mem>>)
    %dma_start3A_6 = arith.constant 0 : i32
    %dma_start3A_7 = tpu.memref_slice %arg4[%mul3A_2, %dma_start3A_6] : memref<2560x128xi32, #tpu.memory_space<hbm>> -> memref<80x128xi32, #tpu.memory_space<hbm>>
    %dma_start3A_8 = arith.constant 0 : i32
    %dma_start3A_9 = tpu.memref_slice %arg4[%mul3A_2, %dma_start3A_8] : memref<2560x128xi32, #tpu.memory_space<hbm>> -> memref<80x128xi32, #tpu.memory_space<hbm>>
    tpu.enqueue_dma source(%dma_start3A_9 : memref<80x128xi32, #tpu.memory_space<hbm>>) target(%arg11 : memref<80x128xi32, #tpu.memory_space<vmem>>) target_semaphore(%arg16 : memref<!tpu.dma_semaphore, #tpu.memory_space<semaphore_mem>>)
    %dma_start3A_10 = arith.constant 1 : i32
    %dma_start3A_11 = arith.constant 0 : i32
    %dma_start3A_12 = arith.constant 0 : i32
    %dma_start3A_13 = tpu.memref_slice %arg12[%dma_start3A_11, %dma_start3A_10, %dma_start3A_12] : memref<80x2x128xi32, #tpu.memory_space<vmem>> -> memref<80x1x128xi32, #tpu.memory_space<vmem>>
    %dma_start3A_14 = tpu.memref_squeeze %dma_start3A_13 : memref<80x1x128xi32, #tpu.memory_space<vmem>> -> memref<80x128xi32, #tpu.memory_space<vmem>>
    %dma_start3A_15 = arith.constant 0 : i32
    %dma_start3A_16 = tpu.memref_slice %arg5[%mul3A_2, %dma_start3A_15] : memref<2560x128xi32, #tpu.memory_space<hbm>> -> memref<80x128xi32, #tpu.memory_space<hbm>>
    %dma_start3A_17 = arith.constant 0 : i32
    %dma_start3A_18 = arith.constant 0 : i32
    %dma_start3A_19 = tpu.memref_slice %arg12[%dma_start3A_17, %dma_start3A_10, %dma_start3A_18] : memref<80x2x128xi32, #tpu.memory_space<vmem>> -> memref<80x1x128xi32, #tpu.memory_space<vmem>>
    %dma_start3A_20 = tpu.memref_squeeze %dma_start3A_19 : memref<80x1x128xi32, #tpu.memory_space<vmem>> -> memref<80x128xi32, #tpu.memory_space<vmem>>
    %dma_start3A_21 = arith.constant 0 : i32
    %dma_start3A_22 = tpu.memref_slice %arg5[%mul3A_2, %dma_start3A_21] : memref<2560x128xi32, #tpu.memory_space<hbm>> -> memref<80x128xi32, #tpu.memory_space<hbm>>
    tpu.enqueue_dma source(%dma_start3A_22 : memref<80x128xi32, #tpu.memory_space<hbm>>) target(%dma_start3A_20 : memref<80x128xi32, #tpu.memory_space<vmem>>) target_semaphore(%arg16 : memref<!tpu.dma_semaphore, #tpu.memory_space<semaphore_mem>>)
    "tpu.region"() ({
      %run_scoped3A = tpu.sem_alloc : memref<!tpu.dma_semaphore, #tpu.memory_space<semaphore_mem>>
      tpu.enqueue_dma source(%arg2 : memref<16xf32, #tpu.memory_space<hbm>>) target(%arg9 : memref<16xf32, #tpu.memory_space<vmem>>) target_semaphore(%run_scoped3A : memref<!tpu.dma_semaphore, #tpu.memory_space<semaphore_mem>>)
      tpu.wait_dma2 semaphore(%run_scoped3A : memref<!tpu.dma_semaphore, #tpu.memory_space<semaphore_mem>>) src(%arg2 : memref<16xf32, #tpu.memory_space<hbm>>) dst(%arg9 : memref<16xf32, #tpu.memory_space<vmem>>)
      tpu.yield
    }) : () -> ()
    %get3A = arith.constant 0 : index
    %get3A_23 = tpu.vector_load %arg9[%get3A] {strides = array<i32>} : memref<16xf32, #tpu.memory_space<vmem>>, vector<16xf32>,
    %get3A_24 = vector.shape_cast %get3A_23 : vector<16xf32> to vector<16xf32>
    %mul3A_25 = arith.constant 1.000000e+01 : f32
    %mul3A_26 = vector.broadcast %mul3A_25 : f32 to vector<16xf32>
    %mul3A_27 = arith.mulf %get3A_24, %mul3A_26 : vector<16xf32>
    %ge3A = arith.constant 0.000000e+00 : f32
    %ge3A_28 = vector.broadcast %ge3A : f32 to vector<16xf32>
    %ge3A_29 = arith.cmpf oge, %mul3A_27, %ge3A_28 : vector<16xf32>
    %mul3A_30 = arith.constant 0.00999999977 : f32
    %mul3A_31 = vector.broadcast %mul3A_30 : f32 to vector<16xf32>
    %mul3A_32 = arith.mulf %mul3A_27, %mul3A_31 : vector<16xf32>
    %select_n3A = arith.select %ge3A_29, %mul3A_27, %mul3A_32 : vector<16xi1>, vector<16xf32>
    %eq3A = arith.constant 0 : i32
    %eq3A_33 = arith.cmpi eq, %arg1, %eq3A : i32
    %convert_element_type3A = arith.extui %eq3A_33 : i1 to i32
    %cond3A = arith.constant 0 : i32
    %cond3A_34 = arith.cmpi ne, %convert_element_type3A, %cond3A : i32
    scf.if %cond3A_34 {
      %scan3A_72 = arith.constant 0 : i32
      %scan3A_73 = arith.constant 0 : i32
      %scan3A_74 = arith.constant 625 : i32
      %scan3A_75 = arith.addi %scan3A_73, %scan3A_74 : i32
      %scan3A_76 = arith.constant 1 : i32
      scf.for %scan3A_78 = %scan3A_73 to %scan3A_75 step %scan3A_76  : i32 {
        %broadcast_in_dim3A = arith.constant 0.000000e+00 : f32
        %broadcast_in_dim3A_79 = vector.broadcast %broadcast_in_dim3A : f32 to vector<16xf32>
        %mul3A_80 = arith.constant 16 : i32
        %mul3A_81 = arith.muli %scan3A_78, %mul3A_80 : i32
        %swap3A = arith.index_cast %mul3A_81 : i32 to index
        %swap3A_82 = tpu.vector_load %arg14[%swap3A] {strides = array<i32>} : memref<10000xf32, #tpu.memory_space<vmem>>, vector<16xf32>,
        %swap3A_83 = vector.shape_cast %swap3A_82 : vector<16xf32> to vector<16xf32>
        %swap3A_84 = vector.shape_cast %broadcast_in_dim3A_79 : vector<16xf32> to vector<16xf32>
        tpu.vector_store %arg14[%swap3A], %swap3A_84 {strides = array<i32>} : memref<10000xf32, #tpu.memory_space<vmem>>, vector<16xf32>,
      }
      %scan3A_77 = arith.constant 625 : i32
      "tpu.region"() ({
        %run_scoped3A = tpu.sem_alloc : memref<!tpu.dma_semaphore, #tpu.memory_space<semaphore_mem>>
        tpu.enqueue_dma source(%arg14 : memref<10000xf32, #tpu.memory_space<vmem>>) target(%arg15 : memref<10000xf32, #tpu.memory_space<vmem_shared>>) target_semaphore(%run_scoped3A : memref<!tpu.dma_semaphore, #tpu.memory_space<semaphore_mem>>)
        tpu.wait_dma2 semaphore(%run_scoped3A : memref<!tpu.dma_semaphore, #tpu.memory_space<semaphore_mem>>) src(%arg14 : memref<10000xf32, #tpu.memory_space<vmem>>) dst(%arg15 : memref<10000xf32, #tpu.memory_space<vmem_shared>>)
        tpu.yield
      }) : () -> ()
    } else {
    }
    %dma_wait3A = arith.constant 0 : i32
    %dma_wait3A_35 = tpu.memref_slice %arg3[%mul3A_2, %dma_wait3A] : memref<2560x128xi32, #tpu.memory_space<hbm>> -> memref<80x128xi32, #tpu.memory_space<hbm>>
    %dma_wait3A_36 = arith.constant 0 : i32
    %dma_wait3A_37 = tpu.memref_slice %arg3[%mul3A_2, %dma_wait3A_36] : memref<2560x128xi32, #tpu.memory_space<hbm>> -> memref<80x128xi32, #tpu.memory_space<hbm>>
    tpu.wait_dma2 semaphore(%arg16 : memref<!tpu.dma_semaphore, #tpu.memory_space<semaphore_mem>>) src(%dma_wait3A_37 : memref<80x128xi32, #tpu.memory_space<hbm>>) dst(%arg10 : memref<80x128xi32, #tpu.memory_space<vmem>>)
    %dma_wait3A_38 = arith.constant 0 : i32
    %dma_wait3A_39 = tpu.memref_slice %arg4[%mul3A_2, %dma_wait3A_38] : memref<2560x128xi32, #tpu.memory_space<hbm>> -> memref<80x128xi32, #tpu.memory_space<hbm>>
    %dma_wait3A_40 = arith.constant 0 : i32
    %dma_wait3A_41 = tpu.memref_slice %arg4[%mul3A_2, %dma_wait3A_40] : memref<2560x128xi32, #tpu.memory_space<hbm>> -> memref<80x128xi32, #tpu.memory_space<hbm>>
    tpu.wait_dma2 semaphore(%arg16 : memref<!tpu.dma_semaphore, #tpu.memory_space<semaphore_mem>>) src(%dma_wait3A_41 : memref<80x128xi32, #tpu.memory_space<hbm>>) dst(%arg11 : memref<80x128xi32, #tpu.memory_space<vmem>>)
    %dma_wait3A_42 = arith.constant 1 : i32
    %dma_wait3A_43 = arith.constant 0 : i32
    %dma_wait3A_44 = arith.constant 0 : i32
    %dma_wait3A_45 = tpu.memref_slice %arg12[%dma_wait3A_43, %dma_wait3A_42, %dma_wait3A_44] : memref<80x2x128xi32, #tpu.memory_space<vmem>> -> memref<80x1x128xi32, #tpu.memory_space<vmem>>
    %dma_wait3A_46 = tpu.memref_squeeze %dma_wait3A_45 : memref<80x1x128xi32, #tpu.memory_space<vmem>> -> memref<80x128xi32, #tpu.memory_space<vmem>>
    %dma_wait3A_47 = arith.constant 0 : i32
    %dma_wait3A_48 = tpu.memref_slice %arg5[%mul3A_2, %dma_wait3A_47] : memref<2560x128xi32, #tpu.memory_space<hbm>> -> memref<80x128xi32, #tpu.memory_space<hbm>>
    %dma_wait3A_49 = arith.constant 0 : i32
    %dma_wait3A_50 = arith.constant 0 : i32
    %dma_wait3A_51 = tpu.memref_slice %arg12[%dma_wait3A_49, %dma_wait3A_42, %dma_wait3A_50] : memref<80x2x128xi32, #tpu.memory_space<vmem>> -> memref<80x1x128xi32, #tpu.memory_space<vmem>>
    %dma_wait3A_52 = tpu.memref_squeeze %dma_wait3A_51 : memref<80x1x128xi32, #tpu.memory_space<vmem>> -> memref<80x128xi32, #tpu.memory_space<vmem>>
    %dma_wait3A_53 = arith.constant 0 : i32
    %dma_wait3A_54 = tpu.memref_slice %arg5[%mul3A_2, %dma_wait3A_53] : memref<2560x128xi32, #tpu.memory_space<hbm>> -> memref<80x128xi32, #tpu.memory_space<hbm>>
    tpu.wait_dma2 semaphore(%arg16 : memref<!tpu.dma_semaphore, #tpu.memory_space<semaphore_mem>>) src(%dma_wait3A_54 : memref<80x128xi32, #tpu.memory_space<hbm>>) dst(%dma_wait3A_52 : memref<80x128xi32, #tpu.memory_space<vmem>>)
    %scan3A = arith.constant 0 : i32
    %scan3A_55 = arith.constant 0 : i32
    %scan3A_56 = arith.constant 80 : i32
    %scan3A_57 = arith.addi %scan3A_55, %scan3A_56 : i32
    %scan3A_58 = arith.constant 1 : i32
    scf.for %scan3A_72 = %scan3A_55 to %scan3A_57 step %scan3A_58  : i32 {
      %add3A_73 = arith.addi %mul3A_2, %scan3A_72 : i32
      %lt3A = arith.constant 2500 : i32
      %lt3A_74 = arith.cmpi slt, %add3A_73, %lt3A : i32
      %convert_element_type3A_75 = arith.extui %lt3A_74 : i1 to i32
      %convert_element_type3A_76 = arith.sitofp %convert_element_type3A_75 : i32 to f32
      %get3A_77 = arith.index_cast %scan3A_72 : i32 to index
      %get3A_78 = arith.constant 0 : index
      %get3A_79 = tpu.vector_load %arg10[%get3A_77, %get3A_78] {strides = array<i32>} : memref<80x128xi32, #tpu.memory_space<vmem>>, vector<1x16xi32>,
      %get3A_80 = vector.shape_cast %get3A_79 : vector<1x16xi32> to vector<16xi32>
      %add3A_81 = arith.constant 15 : i32
      %add3A_82 = vector.broadcast %add3A_81 : i32 to vector<16xi32>
      %add3A_83 = arith.addi %get3A_80, %add3A_82 : vector<16xi32>
      %and3A = arith.constant 15 : i32
      %and3A_84 = vector.broadcast %and3A : i32 to vector<16xi32>
      %and3A_85 = arith.andi %add3A_83, %and3A_84 : vector<16xi32>
      %mul3A_86 = arith.constant 10000 : i32
      %mul3A_87 = vector.broadcast %mul3A_86 : i32 to vector<16xi32>
      %mul3A_88 = arith.muli %and3A_85, %mul3A_87 : vector<16xi32>
      %mul3A_89 = vector.broadcast %convert_element_type3A_75 : i32 to vector<16xi32>
      %mul3A_90 = arith.muli %mul3A_89, %mul3A_88 : vector<16xi32>
      %sub3A = arith.constant 1 : i32
      %sub3A_91 = arith.subi %sub3A, %convert_element_type3A_75 : i32
      %mul3A_92 = arith.constant 160000 : i32
      %mul3A_93 = arith.muli %sub3A_91, %mul3A_92 : i32
      %add3A_94 = vector.broadcast %mul3A_93 : i32 to vector<16xi32>
      %add3A_95 = arith.addi %mul3A_90, %add3A_94 : vector<16xi32>
      %get3A_96 = arith.index_cast %scan3A_72 : i32 to index
      %get3A_97 = arith.constant 0 : index
      %get3A_98 = tpu.vector_load %arg11[%get3A_96, %get3A_97] {strides = array<i32>} : memref<80x128xi32, #tpu.memory_space<vmem>>, vector<1x16xi32>,
      %get3A_99 = vector.shape_cast %get3A_98 : vector<1x16xi32> to vector<16xi32>
      %add3A_100 = arith.addi %add3A_95, %get3A_99 : vector<16xi32>
      %swap3A = arith.constant 0 : i32
      %swap3A_101 = arith.index_cast %scan3A_72 : i32 to index
      %swap3A_102 = arith.index_cast %swap3A : i32 to index
      %swap3A_103 = arith.constant 0 : index
      %swap3A_104 = tpu.vector_load %arg12[%swap3A_101, %swap3A_102, %swap3A_103] {strides = array<i32>} : memref<80x2x128xi32, #tpu.memory_space<vmem>>, vector<1x1x16xi32>,
      %swap3A_105 = vector.shape_cast %swap3A_104 : vector<1x1x16xi32> to vector<16xi32>
      %swap3A_106 = vector.shape_cast %add3A_100 : vector<16xi32> to vector<1x1x16xi32>
      tpu.vector_store %arg12[%swap3A_101, %swap3A_102, %swap3A_103], %swap3A_106 {strides = array<i32>} : memref<80x2x128xi32, #tpu.memory_space<vmem>>, vector<1x1x16xi32>,
      %lt3A_107 = arith.constant 0 : i32
      %lt3A_108 = vector.broadcast %lt3A_107 : i32 to vector<16xi32>
      %lt3A_109 = arith.cmpi slt, %and3A_85, %lt3A_108 : vector<16xi32>
      %add3A_110 = arith.constant 16 : i32
      %add3A_111 = vector.broadcast %add3A_110 : i32 to vector<16xi32>
      %add3A_112 = arith.addi %and3A_85, %add3A_111 : vector<16xi32>
      %select_n3A_113 = arith.select %lt3A_109, %add3A_112, %and3A_85 : vector<16xi1>, vector<16xi32>
      %broadcast_in_dim3A = vector.shape_cast %select_n3A_113 : vector<16xi32> to vector<16x1xi32>
      %gather3A = vector.shape_cast %broadcast_in_dim3A : vector<16x1xi32> to vector<16xi32>
      %gather3A_114 = tpu.dynamic_gather %select_n3A[%gather3A] in [0] : vector<16xf32>, vector<16xi32> -> vector<16xf32>
      %mul3A_115 = vector.broadcast %convert_element_type3A_76 : f32 to vector<16xf32>
      %mul3A_116 = arith.mulf %mul3A_115, %gather3A_114 : vector<16xf32>
      %swap3A_117 = arith.index_cast %scan3A_72 : i32 to index
      %swap3A_118 = arith.constant 0 : index
      %swap3A_119 = tpu.vector_load %arg13[%swap3A_117, %swap3A_118] {strides = array<i32>} : memref<80x128xf32, #tpu.memory_space<vmem>>, vector<1x16xf32>,
      %swap3A_120 = vector.shape_cast %swap3A_119 : vector<1x16xf32> to vector<16xf32>
      %swap3A_121 = vector.shape_cast %mul3A_116 : vector<16xf32> to vector<1x16xf32>
      tpu.vector_store %arg13[%swap3A_117, %swap3A_118], %swap3A_121 {strides = array<i32>} : memref<80x128xf32, #tpu.memory_space<vmem>>, vector<1x16xf32>,
      %get3A_122 = arith.index_cast %scan3A_72 : i32 to index
      %get3A_123 = arith.constant 16 : index
      %get3A_124 = tpu.vector_load %arg10[%get3A_122, %get3A_123] {strides = array<i32>} : memref<80x128xi32, #tpu.memory_space<vmem>>, vector<1x16xi32>,
      %get3A_125 = vector.shape_cast %get3A_124 : vector<1x16xi32> to vector<16xi32>
      %add3A_126 = arith.constant 15 : i32
      %add3A_127 = vector.broadcast %add3A_126 : i32 to vector<16xi32>
      %add3A_128 = arith.addi %get3A_125, %add3A_127 : vector<16xi32>
      %and3A_129 = arith.constant 15 : i32
      %and3A_130 = vector.broadcast %and3A_129 : i32 to vector<16xi32>
      %and3A_131 = arith.andi %add3A_128, %and3A_130 : vector<16xi32>
      %mul3A_132 = arith.constant 10000 : i32
      %mul3A_133 = vector.broadcast %mul3A_132 : i32 to vector<16xi32>
      %mul3A_134 = arith.muli %and3A_131, %mul3A_133 : vector<16xi32>
      %mul3A_135 = vector.broadcast %convert_element_type3A_75 : i32 to vector<16xi32>
      %mul3A_136 = arith.muli %mul3A_135, %mul3A_134 : vector<16xi32>
      %sub3A_137 = arith.constant 1 : i32
      %sub3A_138 = arith.subi %sub3A_137, %convert_element_type3A_75 : i32
      %mul3A_139 = arith.constant 160000 : i32
      %mul3A_140 = arith.muli %sub3A_138, %mul3A_139 : i32
      %add3A_141 = vector.broadcast %mul3A_140 : i32 to vector<16xi32>
      %add3A_142 = arith.addi %mul3A_136, %add3A_141 : vector<16xi32>
      %get3A_143 = arith.index_cast %scan3A_72 : i32 to index
      %get3A_144 = arith.constant 16 : index
      %get3A_145 = tpu.vector_load %arg11[%get3A_143, %get3A_144] {strides = array<i32>} : memref<80x128xi32, #tpu.memory_space<vmem>>, vector<1x16xi32>,
      %get3A_146 = vector.shape_cast %get3A_145 : vector<1x16xi32> to vector<16xi32>
      %add3A_147 = arith.addi %add3A_142, %get3A_146 : vector<16xi32>
      %swap3A_148 = arith.constant 0 : i32
      %swap3A_149 = arith.index_cast %scan3A_72 : i32 to index
      %swap3A_150 = arith.index_cast %swap3A_148 : i32 to index
      %swap3A_151 = arith.constant 16 : index
      %swap3A_152 = tpu.vector_load %arg12[%swap3A_149, %swap3A_150, %swap3A_151] {strides = array<i32>} : memref<80x2x128xi32, #tpu.memory_space<vmem>>, vector<1x1x16xi32>,
      %swap3A_153 = vector.shape_cast %swap3A_152 : vector<1x1x16xi32> to vector<16xi32>
      %swap3A_154 = vector.shape_cast %add3A_147 : vector<16xi32> to vector<1x1x16xi32>
      tpu.vector_store %arg12[%swap3A_149, %swap3A_150, %swap3A_151], %swap3A_154 {strides = array<i32>} : memref<80x2x128xi32, #tpu.memory_space<vmem>>, vector<1x1x16xi32>,
      %lt3A_155 = arith.constant 0 : i32
      %lt3A_156 = vector.broadcast %lt3A_155 : i32 to vector<16xi32>
      %lt3A_157 = arith.cmpi slt, %and3A_131, %lt3A_156 : vector<16xi32>
      %add3A_158 = arith.constant 16 : i32
      %add3A_159 = vector.broadcast %add3A_158 : i32 to vector<16xi32>
      %add3A_160 = arith.addi %and3A_131, %add3A_159 : vector<16xi32>
      %select_n3A_161 = arith.select %lt3A_157, %add3A_160, %and3A_131 : vector<16xi1>, vector<16xi32>
      %broadcast_in_dim3A_162 = vector.shape_cast %select_n3A_161 : vector<16xi32> to vector<16x1xi32>
      %gather3A_163 = vector.shape_cast %broadcast_in_dim3A_162 : vector<16x1xi32> to vector<16xi32>
      %gather3A_164 = tpu.dynamic_gather %select_n3A[%gather3A_163] in [0] : vector<16xf32>, vector<16xi32> -> vector<16xf32>
      %mul3A_165 = vector.broadcast %convert_element_type3A_76 : f32 to vector<16xf32>
      %mul3A_166 = arith.mulf %mul3A_165, %gather3A_164 : vector<16xf32>
      %swap3A_167 = arith.index_cast %scan3A_72 : i32 to index
      %swap3A_168 = arith.constant 16 : index
      %swap3A_169 = tpu.vector_load %arg13[%swap3A_167, %swap3A_168] {strides = array<i32>} : memref<80x128xf32, #tpu.memory_space<vmem>>, vector<1x16xf32>,
      %swap3A_170 = vector.shape_cast %swap3A_169 : vector<1x16xf32> to vector<16xf32>
      %swap3A_171 = vector.shape_cast %mul3A_166 : vector<16xf32> to vector<1x16xf32>
      tpu.vector_store %arg13[%swap3A_167, %swap3A_168], %swap3A_171 {strides = array<i32>} : memref<80x128xf32, #tpu.memory_space<vmem>>, vector<1x16xf32>,
      %get3A_172 = arith.index_cast %scan3A_72 : i32 to index
      %get3A_173 = arith.constant 32 : index
      %get3A_174 = tpu.vector_load %arg10[%get3A_172, %get3A_173] {strides = array<i32>} : memref<80x128xi32, #tpu.memory_space<vmem>>, vector<1x16xi32>,
      %get3A_175 = vector.shape_cast %get3A_174 : vector<1x16xi32> to vector<16xi32>
      %add3A_176 = arith.constant 15 : i32
      %add3A_177 = vector.broadcast %add3A_176 : i32 to vector<16xi32>
      %add3A_178 = arith.addi %get3A_175, %add3A_177 : vector<16xi32>
      %and3A_179 = arith.constant 15 : i32
      %and3A_180 = vector.broadcast %and3A_179 : i32 to vector<16xi32>
      %and3A_181 = arith.andi %add3A_178, %and3A_180 : vector<16xi32>
      %mul3A_182 = arith.constant 10000 : i32
      %mul3A_183 = vector.broadcast %mul3A_182 : i32 to vector<16xi32>
      %mul3A_184 = arith.muli %and3A_181, %mul3A_183 : vector<16xi32>
      %mul3A_185 = vector.broadcast %convert_element_type3A_75 : i32 to vector<16xi32>
      %mul3A_186 = arith.muli %mul3A_185, %mul3A_184 : vector<16xi32>
      %sub3A_187 = arith.constant 1 : i32
      %sub3A_188 = arith.subi %sub3A_187, %convert_element_type3A_75 : i32
      %mul3A_189 = arith.constant 160000 : i32
      %mul3A_190 = arith.muli %sub3A_188, %mul3A_189 : i32
      %add3A_191 = vector.broadcast %mul3A_190 : i32 to vector<16xi32>
      %add3A_192 = arith.addi %mul3A_186, %add3A_191 : vector<16xi32>
      %get3A_193 = arith.index_cast %scan3A_72 : i32 to index
      %get3A_194 = arith.constant 32 : index
      %get3A_195 = tpu.vector_load %arg11[%get3A_193, %get3A_194] {strides = array<i32>} : memref<80x128xi32, #tpu.memory_space<vmem>>, vector<1x16xi32>,
      %get3A_196 = vector.shape_cast %get3A_195 : vector<1x16xi32> to vector<16xi32>
      %add3A_197 = arith.addi %add3A_192, %get3A_196 : vector<16xi32>
      %swap3A_198 = arith.constant 0 : i32
      %swap3A_199 = arith.index_cast %scan3A_72 : i32 to index
      %swap3A_200 = arith.index_cast %swap3A_198 : i32 to index
      %swap3A_201 = arith.constant 32 : index
      %swap3A_202 = tpu.vector_load %arg12[%swap3A_199, %swap3A_200, %swap3A_201] {strides = array<i32>} : memref<80x2x128xi32, #tpu.memory_space<vmem>>, vector<1x1x16xi32>,
      %swap3A_203 = vector.shape_cast %swap3A_202 : vector<1x1x16xi32> to vector<16xi32>
      %swap3A_204 = vector.shape_cast %add3A_197 : vector<16xi32> to vector<1x1x16xi32>
      tpu.vector_store %arg12[%swap3A_199, %swap3A_200, %swap3A_201], %swap3A_204 {strides = array<i32>} : memref<80x2x128xi32, #tpu.memory_space<vmem>>, vector<1x1x16xi32>,
      %lt3A_205 = arith.constant 0 : i32
      %lt3A_206 = vector.broadcast %lt3A_205 : i32 to vector<16xi32>
      %lt3A_207 = arith.cmpi slt, %and3A_181, %lt3A_206 : vector<16xi32>
      %add3A_208 = arith.constant 16 : i32
      %add3A_209 = vector.broadcast %add3A_208 : i32 to vector<16xi32>
      %add3A_210 = arith.addi %and3A_181, %add3A_209 : vector<16xi32>
      %select_n3A_211 = arith.select %lt3A_207, %add3A_210, %and3A_181 : vector<16xi1>, vector<16xi32>
      %broadcast_in_dim3A_212 = vector.shape_cast %select_n3A_211 : vector<16xi32> to vector<16x1xi32>
      %gather3A_213 = vector.shape_cast %broadcast_in_dim3A_212 : vector<16x1xi32> to vector<16xi32>
      %gather3A_214 = tpu.dynamic_gather %select_n3A[%gather3A_213] in [0] : vector<16xf32>, vector<16xi32> -> vector<16xf32>
      %mul3A_215 = vector.broadcast %convert_element_type3A_76 : f32 to vector<16xf32>
      %mul3A_216 = arith.mulf %mul3A_215, %gather3A_214 : vector<16xf32>
      %swap3A_217 = arith.index_cast %scan3A_72 : i32 to index
      %swap3A_218 = arith.constant 32 : index
      %swap3A_219 = tpu.vector_load %arg13[%swap3A_217, %swap3A_218] {strides = array<i32>} : memref<80x128xf32, #tpu.memory_space<vmem>>, vector<1x16xf32>,
      %swap3A_220 = vector.shape_cast %swap3A_219 : vector<1x16xf32> to vector<16xf32>
      %swap3A_221 = vector.shape_cast %mul3A_216 : vector<16xf32> to vector<1x16xf32>
      tpu.vector_store %arg13[%swap3A_217, %swap3A_218], %swap3A_221 {strides = array<i32>} : memref<80x128xf32, #tpu.memory_space<vmem>>, vector<1x16xf32>,
      %get3A_222 = arith.index_cast %scan3A_72 : i32 to index
      %get3A_223 = arith.constant 48 : index
      %get3A_224 = tpu.vector_load %arg10[%get3A_222, %get3A_223] {strides = array<i32>} : memref<80x128xi32, #tpu.memory_space<vmem>>, vector<1x16xi32>,
      %get3A_225 = vector.shape_cast %get3A_224 : vector<1x16xi32> to vector<16xi32>
      %add3A_226 = arith.constant 15 : i32
      %add3A_227 = vector.broadcast %add3A_226 : i32 to vector<16xi32>
      %add3A_228 = arith.addi %get3A_225, %add3A_227 : vector<16xi32>
      %and3A_229 = arith.constant 15 : i32
      %and3A_230 = vector.broadcast %and3A_229 : i32 to vector<16xi32>
      %and3A_231 = arith.andi %add3A_228, %and3A_230 : vector<16xi32>
      %mul3A_232 = arith.constant 10000 : i32
      %mul3A_233 = vector.broadcast %mul3A_232 : i32 to vector<16xi32>
      %mul3A_234 = arith.muli %and3A_231, %mul3A_233 : vector<16xi32>
      %mul3A_235 = vector.broadcast %convert_element_type3A_75 : i32 to vector<16xi32>
      %mul3A_236 = arith.muli %mul3A_235, %mul3A_234 : vector<16xi32>
      %sub3A_237 = arith.constant 1 : i32
      %sub3A_238 = arith.subi %sub3A_237, %convert_element_type3A_75 : i32
      %mul3A_239 = arith.constant 160000 : i32
      %mul3A_240 = arith.muli %sub3A_238, %mul3A_239 : i32
      %add3A_241 = vector.broadcast %mul3A_240 : i32 to vector<16xi32>
      %add3A_242 = arith.addi %mul3A_236, %add3A_241 : vector<16xi32>
      %get3A_243 = arith.index_cast %scan3A_72 : i32 to index
      %get3A_244 = arith.constant 48 : index
      %get3A_245 = tpu.vector_load %arg11[%get3A_243, %get3A_244] {strides = array<i32>} : memref<80x128xi32, #tpu.memory_space<vmem>>, vector<1x16xi32>,
      %get3A_246 = vector.shape_cast %get3A_245 : vector<1x16xi32> to vector<16xi32>
      %add3A_247 = arith.addi %add3A_242, %get3A_246 : vector<16xi32>
      %swap3A_248 = arith.constant 0 : i32
      %swap3A_249 = arith.index_cast %scan3A_72 : i32 to index
      %swap3A_250 = arith.index_cast %swap3A_248 : i32 to index
      %swap3A_251 = arith.constant 48 : index
      %swap3A_252 = tpu.vector_load %arg12[%swap3A_249, %swap3A_250, %swap3A_251] {strides = array<i32>} : memref<80x2x128xi32, #tpu.memory_space<vmem>>, vector<1x1x16xi32>,
      %swap3A_253 = vector.shape_cast %swap3A_252 : vector<1x1x16xi32> to vector<16xi32>
      %swap3A_254 = vector.shape_cast %add3A_247 : vector<16xi32> to vector<1x1x16xi32>
      tpu.vector_store %arg12[%swap3A_249, %swap3A_250, %swap3A_251], %swap3A_254 {strides = array<i32>} : memref<80x2x128xi32, #tpu.memory_space<vmem>>, vector<1x1x16xi32>,
      %lt3A_255 = arith.constant 0 : i32
      %lt3A_256 = vector.broadcast %lt3A_255 : i32 to vector<16xi32>
      %lt3A_257 = arith.cmpi slt, %and3A_231, %lt3A_256 : vector<16xi32>
      %add3A_258 = arith.constant 16 : i32
      %add3A_259 = vector.broadcast %add3A_258 : i32 to vector<16xi32>
      %add3A_260 = arith.addi %and3A_231, %add3A_259 : vector<16xi32>
      %select_n3A_261 = arith.select %lt3A_257, %add3A_260, %and3A_231 : vector<16xi1>, vector<16xi32>
      %broadcast_in_dim3A_262 = vector.shape_cast %select_n3A_261 : vector<16xi32> to vector<16x1xi32>
      %gather3A_263 = vector.shape_cast %broadcast_in_dim3A_262 : vector<16x1xi32> to vector<16xi32>
      %gather3A_264 = tpu.dynamic_gather %select_n3A[%gather3A_263] in [0] : vector<16xf32>, vector<16xi32> -> vector<16xf32>
      %mul3A_265 = vector.broadcast %convert_element_type3A_76 : f32 to vector<16xf32>
      %mul3A_266 = arith.mulf %mul3A_265, %gather3A_264 : vector<16xf32>
      %swap3A_267 = arith.index_cast %scan3A_72 : i32 to index
      %swap3A_268 = arith.constant 48 : index
      %swap3A_269 = tpu.vector_load %arg13[%swap3A_267, %swap3A_268] {strides = array<i32>} : memref<80x128xf32, #tpu.memory_space<vmem>>, vector<1x16xf32>,
      %swap3A_270 = vector.shape_cast %swap3A_269 : vector<1x16xf32> to vector<16xf32>
      %swap3A_271 = vector.shape_cast %mul3A_266 : vector<16xf32> to vector<1x16xf32>
      tpu.vector_store %arg13[%swap3A_267, %swap3A_268], %swap3A_271 {strides = array<i32>} : memref<80x128xf32, #tpu.memory_space<vmem>>, vector<1x16xf32>,
      %get3A_272 = arith.index_cast %scan3A_72 : i32 to index
      %get3A_273 = arith.constant 64 : index
      %get3A_274 = tpu.vector_load %arg10[%get3A_272, %get3A_273] {strides = array<i32>} : memref<80x128xi32, #tpu.memory_space<vmem>>, vector<1x16xi32>,
      %get3A_275 = vector.shape_cast %get3A_274 : vector<1x16xi32> to vector<16xi32>
      %add3A_276 = arith.constant 15 : i32
      %add3A_277 = vector.broadcast %add3A_276 : i32 to vector<16xi32>
      %add3A_278 = arith.addi %get3A_275, %add3A_277 : vector<16xi32>
      %and3A_279 = arith.constant 15 : i32
      %and3A_280 = vector.broadcast %and3A_279 : i32 to vector<16xi32>
      %and3A_281 = arith.andi %add3A_278, %and3A_280 : vector<16xi32>
      %mul3A_282 = arith.constant 10000 : i32
      %mul3A_283 = vector.broadcast %mul3A_282 : i32 to vector<16xi32>
      %mul3A_284 = arith.muli %and3A_281, %mul3A_283 : vector<16xi32>
      %mul3A_285 = vector.broadcast %convert_element_type3A_75 : i32 to vector<16xi32>
      %mul3A_286 = arith.muli %mul3A_285, %mul3A_284 : vector<16xi32>
      %sub3A_287 = arith.constant 1 : i32
      %sub3A_288 = arith.subi %sub3A_287, %convert_element_type3A_75 : i32
      %mul3A_289 = arith.constant 160000 : i32
      %mul3A_290 = arith.muli %sub3A_288, %mul3A_289 : i32
      %add3A_291 = vector.broadcast %mul3A_290 : i32 to vector<16xi32>
      %add3A_292 = arith.addi %mul3A_286, %add3A_291 : vector<16xi32>
      %get3A_293 = arith.index_cast %scan3A_72 : i32 to index
      %get3A_294 = arith.constant 64 : index
      %get3A_295 = tpu.vector_load %arg11[%get3A_293, %get3A_294] {strides = array<i32>} : memref<80x128xi32, #tpu.memory_space<vmem>>, vector<1x16xi32>,
      %get3A_296 = vector.shape_cast %get3A_295 : vector<1x16xi32> to vector<16xi32>
      %add3A_297 = arith.addi %add3A_292, %get3A_296 : vector<16xi32>
      %swap3A_298 = arith.constant 0 : i32
      %swap3A_299 = arith.index_cast %scan3A_72 : i32 to index
      %swap3A_300 = arith.index_cast %swap3A_298 : i32 to index
      %swap3A_301 = arith.constant 64 : index
      %swap3A_302 = tpu.vector_load %arg12[%swap3A_299, %swap3A_300, %swap3A_301] {strides = array<i32>} : memref<80x2x128xi32, #tpu.memory_space<vmem>>, vector<1x1x16xi32>,
      %swap3A_303 = vector.shape_cast %swap3A_302 : vector<1x1x16xi32> to vector<16xi32>
      %swap3A_304 = vector.shape_cast %add3A_297 : vector<16xi32> to vector<1x1x16xi32>
      tpu.vector_store %arg12[%swap3A_299, %swap3A_300, %swap3A_301], %swap3A_304 {strides = array<i32>} : memref<80x2x128xi32, #tpu.memory_space<vmem>>, vector<1x1x16xi32>,
      %lt3A_305 = arith.constant 0 : i32
      %lt3A_306 = vector.broadcast %lt3A_305 : i32 to vector<16xi32>
      %lt3A_307 = arith.cmpi slt, %and3A_281, %lt3A_306 : vector<16xi32>
      %add3A_308 = arith.constant 16 : i32
      %add3A_309 = vector.broadcast %add3A_308 : i32 to vector<16xi32>
      %add3A_310 = arith.addi %and3A_281, %add3A_309 : vector<16xi32>
      %select_n3A_311 = arith.select %lt3A_307, %add3A_310, %and3A_281 : vector<16xi1>, vector<16xi32>
      %broadcast_in_dim3A_312 = vector.shape_cast %select_n3A_311 : vector<16xi32> to vector<16x1xi32>
      %gather3A_313 = vector.shape_cast %broadcast_in_dim3A_312 : vector<16x1xi32> to vector<16xi32>
      %gather3A_314 = tpu.dynamic_gather %select_n3A[%gather3A_313] in [0] : vector<16xf32>, vector<16xi32> -> vector<16xf32>
      %mul3A_315 = vector.broadcast %convert_element_type3A_76 : f32 to vector<16xf32>
      %mul3A_316 = arith.mulf %mul3A_315, %gather3A_314 : vector<16xf32>
      %swap3A_317 = arith.index_cast %scan3A_72 : i32 to index
      %swap3A_318 = arith.constant 64 : index
      %swap3A_319 = tpu.vector_load %arg13[%swap3A_317, %swap3A_318] {strides = array<i32>} : memref<80x128xf32, #tpu.memory_space<vmem>>, vector<1x16xf32>,
      %swap3A_320 = vector.shape_cast %swap3A_319 : vector<1x16xf32> to vector<16xf32>
      %swap3A_321 = vector.shape_cast %mul3A_316 : vector<16xf32> to vector<1x16xf32>
      tpu.vector_store %arg13[%swap3A_317, %swap3A_318], %swap3A_321 {strides = array<i32>} : memref<80x128xf32, #tpu.memory_space<vmem>>, vector<1x16xf32>,
      %get3A_322 = arith.index_cast %scan3A_72 : i32 to index
      %get3A_323 = arith.constant 80 : index
      %get3A_324 = tpu.vector_load %arg10[%get3A_322, %get3A_323] {strides = array<i32>} : memref<80x128xi32, #tpu.memory_space<vmem>>, vector<1x16xi32>,
      %get3A_325 = vector.shape_cast %get3A_324 : vector<1x16xi32> to vector<16xi32>
      %add3A_326 = arith.constant 15 : i32
      %add3A_327 = vector.broadcast %add3A_326 : i32 to vector<16xi32>
      %add3A_328 = arith.addi %get3A_325, %add3A_327 : vector<16xi32>
      %and3A_329 = arith.constant 15 : i32
      %and3A_330 = vector.broadcast %and3A_329 : i32 to vector<16xi32>
      %and3A_331 = arith.andi %add3A_328, %and3A_330 : vector<16xi32>
      %mul3A_332 = arith.constant 10000 : i32
      %mul3A_333 = vector.broadcast %mul3A_332 : i32 to vector<16xi32>
      %mul3A_334 = arith.muli %and3A_331, %mul3A_333 : vector<16xi32>
      %mul3A_335 = vector.broadcast %convert_element_type3A_75 : i32 to vector<16xi32>
      %mul3A_336 = arith.muli %mul3A_335, %mul3A_334 : vector<16xi32>
      %sub3A_337 = arith.constant 1 : i32
      %sub3A_338 = arith.subi %sub3A_337, %convert_element_type3A_75 : i32
      %mul3A_339 = arith.constant 160000 : i32
      %mul3A_340 = arith.muli %sub3A_338, %mul3A_339 : i32
      %add3A_341 = vector.broadcast %mul3A_340 : i32 to vector<16xi32>
      %add3A_342 = arith.addi %mul3A_336, %add3A_341 : vector<16xi32>
      %get3A_343 = arith.index_cast %scan3A_72 : i32 to index
      %get3A_344 = arith.constant 80 : index
      %get3A_345 = tpu.vector_load %arg11[%get3A_343, %get3A_344] {strides = array<i32>} : memref<80x128xi32, #tpu.memory_space<vmem>>, vector<1x16xi32>,
      %get3A_346 = vector.shape_cast %get3A_345 : vector<1x16xi32> to vector<16xi32>
      %add3A_347 = arith.addi %add3A_342, %get3A_346 : vector<16xi32>
      %swap3A_348 = arith.constant 0 : i32
      %swap3A_349 = arith.index_cast %scan3A_72 : i32 to index
      %swap3A_350 = arith.index_cast %swap3A_348 : i32 to index
      %swap3A_351 = arith.constant 80 : index
      %swap3A_352 = tpu.vector_load %arg12[%swap3A_349, %swap3A_350, %swap3A_351] {strides = array<i32>} : memref<80x2x128xi32, #tpu.memory_space<vmem>>, vector<1x1x16xi32>,
      %swap3A_353 = vector.shape_cast %swap3A_352 : vector<1x1x16xi32> to vector<16xi32>
      %swap3A_354 = vector.shape_cast %add3A_347 : vector<16xi32> to vector<1x1x16xi32>
      tpu.vector_store %arg12[%swap3A_349, %swap3A_350, %swap3A_351], %swap3A_354 {strides = array<i32>} : memref<80x2x128xi32, #tpu.memory_space<vmem>>, vector<1x1x16xi32>,
      %lt3A_355 = arith.constant 0 : i32
      %lt3A_356 = vector.broadcast %lt3A_355 : i32 to vector<16xi32>
      %lt3A_357 = arith.cmpi slt, %and3A_331, %lt3A_356 : vector<16xi32>
      %add3A_358 = arith.constant 16 : i32
      %add3A_359 = vector.broadcast %add3A_358 : i32 to vector<16xi32>
      %add3A_360 = arith.addi %and3A_331, %add3A_359 : vector<16xi32>
      %select_n3A_361 = arith.select %lt3A_357, %add3A_360, %and3A_331 : vector<16xi1>, vector<16xi32>
      %broadcast_in_dim3A_362 = vector.shape_cast %select_n3A_361 : vector<16xi32> to vector<16x1xi32>
      %gather3A_363 = vector.shape_cast %broadcast_in_dim3A_362 : vector<16x1xi32> to vector<16xi32>
      %gather3A_364 = tpu.dynamic_gather %select_n3A[%gather3A_363] in [0] : vector<16xf32>, vector<16xi32> -> vector<16xf32>
      %mul3A_365 = vector.broadcast %convert_element_type3A_76 : f32 to vector<16xf32>
      %mul3A_366 = arith.mulf %mul3A_365, %gather3A_364 : vector<16xf32>
      %swap3A_367 = arith.index_cast %scan3A_72 : i32 to index
      %swap3A_368 = arith.constant 80 : index
      %swap3A_369 = tpu.vector_load %arg13[%swap3A_367, %swap3A_368] {strides = array<i32>} : memref<80x128xf32, #tpu.memory_space<vmem>>, vector<1x16xf32>,
      %swap3A_370 = vector.shape_cast %swap3A_369 : vector<1x16xf32> to vector<16xf32>
      %swap3A_371 = vector.shape_cast %mul3A_366 : vector<16xf32> to vector<1x16xf32>
      tpu.vector_store %arg13[%swap3A_367, %swap3A_368], %swap3A_371 {strides = array<i32>} : memref<80x128xf32, #tpu.memory_space<vmem>>, vector<1x16xf32>,
      %get3A_372 = arith.index_cast %scan3A_72 : i32 to index
      %get3A_373 = arith.constant 96 : index
      %get3A_374 = tpu.vector_load %arg10[%get3A_372, %get3A_373] {strides = array<i32>} : memref<80x128xi32, #tpu.memory_space<vmem>>, vector<1x16xi32>,
      %get3A_375 = vector.shape_cast %get3A_374 : vector<1x16xi32> to vector<16xi32>
      %add3A_376 = arith.constant 15 : i32
      %add3A_377 = vector.broadcast %add3A_376 : i32 to vector<16xi32>
      %add3A_378 = arith.addi %get3A_375, %add3A_377 : vector<16xi32>
      %and3A_379 = arith.constant 15 : i32
      %and3A_380 = vector.broadcast %and3A_379 : i32 to vector<16xi32>
      %and3A_381 = arith.andi %add3A_378, %and3A_380 : vector<16xi32>
      %mul3A_382 = arith.constant 10000 : i32
      %mul3A_383 = vector.broadcast %mul3A_382 : i32 to vector<16xi32>
      %mul3A_384 = arith.muli %and3A_381, %mul3A_383 : vector<16xi32>
      %mul3A_385 = vector.broadcast %convert_element_type3A_75 : i32 to vector<16xi32>
      %mul3A_386 = arith.muli %mul3A_385, %mul3A_384 : vector<16xi32>
      %sub3A_387 = arith.constant 1 : i32
      %sub3A_388 = arith.subi %sub3A_387, %convert_element_type3A_75 : i32
      %mul3A_389 = arith.constant 160000 : i32
      %mul3A_390 = arith.muli %sub3A_388, %mul3A_389 : i32
      %add3A_391 = vector.broadcast %mul3A_390 : i32 to vector<16xi32>
      %add3A_392 = arith.addi %mul3A_386, %add3A_391 : vector<16xi32>
      %get3A_393 = arith.index_cast %scan3A_72 : i32 to index
      %get3A_394 = arith.constant 96 : index
      %get3A_395 = tpu.vector_load %arg11[%get3A_393, %get3A_394] {strides = array<i32>} : memref<80x128xi32, #tpu.memory_space<vmem>>, vector<1x16xi32>,
      %get3A_396 = vector.shape_cast %get3A_395 : vector<1x16xi32> to vector<16xi32>
      %add3A_397 = arith.addi %add3A_392, %get3A_396 : vector<16xi32>
      %swap3A_398 = arith.constant 0 : i32
      %swap3A_399 = arith.index_cast %scan3A_72 : i32 to index
      %swap3A_400 = arith.index_cast %swap3A_398 : i32 to index
      %swap3A_401 = arith.constant 96 : index
      %swap3A_402 = tpu.vector_load %arg12[%swap3A_399, %swap3A_400, %swap3A_401] {strides = array<i32>} : memref<80x2x128xi32, #tpu.memory_space<vmem>>, vector<1x1x16xi32>,
      %swap3A_403 = vector.shape_cast %swap3A_402 : vector<1x1x16xi32> to vector<16xi32>
      %swap3A_404 = vector.shape_cast %add3A_397 : vector<16xi32> to vector<1x1x16xi32>
      tpu.vector_store %arg12[%swap3A_399, %swap3A_400, %swap3A_401], %swap3A_404 {strides = array<i32>} : memref<80x2x128xi32, #tpu.memory_space<vmem>>, vector<1x1x16xi32>,
      %lt3A_405 = arith.constant 0 : i32
      %lt3A_406 = vector.broadcast %lt3A_405 : i32 to vector<16xi32>
      %lt3A_407 = arith.cmpi slt, %and3A_381, %lt3A_406 : vector<16xi32>
      %add3A_408 = arith.constant 16 : i32
      %add3A_409 = vector.broadcast %add3A_408 : i32 to vector<16xi32>
      %add3A_410 = arith.addi %and3A_381, %add3A_409 : vector<16xi32>
      %select_n3A_411 = arith.select %lt3A_407, %add3A_410, %and3A_381 : vector<16xi1>, vector<16xi32>
      %broadcast_in_dim3A_412 = vector.shape_cast %select_n3A_411 : vector<16xi32> to vector<16x1xi32>
      %gather3A_413 = vector.shape_cast %broadcast_in_dim3A_412 : vector<16x1xi32> to vector<16xi32>
      %gather3A_414 = tpu.dynamic_gather %select_n3A[%gather3A_413] in [0] : vector<16xf32>, vector<16xi32> -> vector<16xf32>
      %mul3A_415 = vector.broadcast %convert_element_type3A_76 : f32 to vector<16xf32>
      %mul3A_416 = arith.mulf %mul3A_415, %gather3A_414 : vector<16xf32>
      %swap3A_417 = arith.index_cast %scan3A_72 : i32 to index
      %swap3A_418 = arith.constant 96 : index
      %swap3A_419 = tpu.vector_load %arg13[%swap3A_417, %swap3A_418] {strides = array<i32>} : memref<80x128xf32, #tpu.memory_space<vmem>>, vector<1x16xf32>,
      %swap3A_420 = vector.shape_cast %swap3A_419 : vector<1x16xf32> to vector<16xf32>
      %swap3A_421 = vector.shape_cast %mul3A_416 : vector<16xf32> to vector<1x16xf32>
      tpu.vector_store %arg13[%swap3A_417, %swap3A_418], %swap3A_421 {strides = array<i32>} : memref<80x128xf32, #tpu.memory_space<vmem>>, vector<1x16xf32>,
      %get3A_422 = arith.index_cast %scan3A_72 : i32 to index
      %get3A_423 = arith.constant 112 : index
      %get3A_424 = tpu.vector_load %arg10[%get3A_422, %get3A_423] {strides = array<i32>} : memref<80x128xi32, #tpu.memory_space<vmem>>, vector<1x16xi32>,
      %get3A_425 = vector.shape_cast %get3A_424 : vector<1x16xi32> to vector<16xi32>
      %add3A_426 = arith.constant 15 : i32
      %add3A_427 = vector.broadcast %add3A_426 : i32 to vector<16xi32>
      %add3A_428 = arith.addi %get3A_425, %add3A_427 : vector<16xi32>
      %and3A_429 = arith.constant 15 : i32
      %and3A_430 = vector.broadcast %and3A_429 : i32 to vector<16xi32>
      %and3A_431 = arith.andi %add3A_428, %and3A_430 : vector<16xi32>
      %mul3A_432 = arith.constant 10000 : i32
      %mul3A_433 = vector.broadcast %mul3A_432 : i32 to vector<16xi32>
      %mul3A_434 = arith.muli %and3A_431, %mul3A_433 : vector<16xi32>
      %mul3A_435 = vector.broadcast %convert_element_type3A_75 : i32 to vector<16xi32>
      %mul3A_436 = arith.muli %mul3A_435, %mul3A_434 : vector<16xi32>
      %sub3A_437 = arith.constant 1 : i32
      %sub3A_438 = arith.subi %sub3A_437, %convert_element_type3A_75 : i32
      %mul3A_439 = arith.constant 160000 : i32
      %mul3A_440 = arith.muli %sub3A_438, %mul3A_439 : i32
      %add3A_441 = vector.broadcast %mul3A_440 : i32 to vector<16xi32>
      %add3A_442 = arith.addi %mul3A_436, %add3A_441 : vector<16xi32>
      %get3A_443 = arith.index_cast %scan3A_72 : i32 to index
      %get3A_444 = arith.constant 112 : index
      %get3A_445 = tpu.vector_load %arg11[%get3A_443, %get3A_444] {strides = array<i32>} : memref<80x128xi32, #tpu.memory_space<vmem>>, vector<1x16xi32>,
      %get3A_446 = vector.shape_cast %get3A_445 : vector<1x16xi32> to vector<16xi32>
      %add3A_447 = arith.addi %add3A_442, %get3A_446 : vector<16xi32>
      %swap3A_448 = arith.constant 0 : i32
      %swap3A_449 = arith.index_cast %scan3A_72 : i32 to index
      %swap3A_450 = arith.index_cast %swap3A_448 : i32 to index
      %swap3A_451 = arith.constant 112 : index
      %swap3A_452 = tpu.vector_load %arg12[%swap3A_449, %swap3A_450, %swap3A_451] {strides = array<i32>} : memref<80x2x128xi32, #tpu.memory_space<vmem>>, vector<1x1x16xi32>,
      %swap3A_453 = vector.shape_cast %swap3A_452 : vector<1x1x16xi32> to vector<16xi32>
      %swap3A_454 = vector.shape_cast %add3A_447 : vector<16xi32> to vector<1x1x16xi32>
      tpu.vector_store %arg12[%swap3A_449, %swap3A_450, %swap3A_451], %swap3A_454 {strides = array<i32>} : memref<80x2x128xi32, #tpu.memory_space<vmem>>, vector<1x1x16xi32>,
      %lt3A_455 = arith.constant 0 : i32
      %lt3A_456 = vector.broadcast %lt3A_455 : i32 to vector<16xi32>
      %lt3A_457 = arith.cmpi slt, %and3A_431, %lt3A_456 : vector<16xi32>
      %add3A_458 = arith.constant 16 : i32
      %add3A_459 = vector.broadcast %add3A_458 : i32 to vector<16xi32>
      %add3A_460 = arith.addi %and3A_431, %add3A_459 : vector<16xi32>
      %select_n3A_461 = arith.select %lt3A_457, %add3A_460, %and3A_431 : vector<16xi1>, vector<16xi32>
      %broadcast_in_dim3A_462 = vector.shape_cast %select_n3A_461 : vector<16xi32> to vector<16x1xi32>
      %gather3A_463 = vector.shape_cast %broadcast_in_dim3A_462 : vector<16x1xi32> to vector<16xi32>
      %gather3A_464 = tpu.dynamic_gather %select_n3A[%gather3A_463] in [0] : vector<16xf32>, vector<16xi32> -> vector<16xf32>
      %mul3A_465 = vector.broadcast %convert_element_type3A_76 : f32 to vector<16xf32>
      %mul3A_466 = arith.mulf %mul3A_465, %gather3A_464 : vector<16xf32>
      %swap3A_467 = arith.index_cast %scan3A_72 : i32 to index
      %swap3A_468 = arith.constant 112 : index
      %swap3A_469 = tpu.vector_load %arg13[%swap3A_467, %swap3A_468] {strides = array<i32>} : memref<80x128xf32, #tpu.memory_space<vmem>>, vector<1x16xf32>,
      %swap3A_470 = vector.shape_cast %swap3A_469 : vector<1x16xf32> to vector<16xf32>
      %swap3A_471 = vector.shape_cast %mul3A_466 : vector<16xf32> to vector<1x16xf32>
      tpu.vector_store %arg13[%swap3A_467, %swap3A_468], %swap3A_471 {strides = array<i32>} : memref<80x128xf32, #tpu.memory_space<vmem>>, vector<1x16xf32>,
    }
    %scan3A_59 = arith.constant 80 : i32
    "tpu.region"() ({
      %run_scoped3A = tpu.sem_alloc : memref<!tpu.dma_semaphore, #tpu.memory_space<semaphore_mem>>
      %dma_start3A_72 = arith.constant 0 : i32
      %dma_start3A_73 = arith.constant 0 : i32
      %dma_start3A_74 = tpu.memref_slice %arg6[%mul3A_2, %dma_start3A_72, %dma_start3A_73] : memref<2560x2x128xi32, #tpu.memory_space<hbm>> -> memref<80x2x128xi32, #tpu.memory_space<hbm>>
      %dma_start3A_75 = arith.constant 0 : i32
      %dma_start3A_76 = arith.constant 0 : i32
      %dma_start3A_77 = tpu.memref_slice %arg6[%mul3A_2, %dma_start3A_75, %dma_start3A_76] : memref<2560x2x128xi32, #tpu.memory_space<hbm>> -> memref<80x2x128xi32, #tpu.memory_space<hbm>>
      tpu.enqueue_dma source(%arg12 : memref<80x2x128xi32, #tpu.memory_space<vmem>>) target(%dma_start3A_77 : memref<80x2x128xi32, #tpu.memory_space<hbm>>) target_semaphore(%run_scoped3A : memref<!tpu.dma_semaphore, #tpu.memory_space<semaphore_mem>>)
      %dma_wait3A_78 = arith.constant 0 : i32
      %dma_wait3A_79 = arith.constant 0 : i32
      %dma_wait3A_80 = tpu.memref_slice %arg6[%mul3A_2, %dma_wait3A_78, %dma_wait3A_79] : memref<2560x2x128xi32, #tpu.memory_space<hbm>> -> memref<80x2x128xi32, #tpu.memory_space<hbm>>
      %dma_wait3A_81 = arith.constant 0 : i32
      %dma_wait3A_82 = arith.constant 0 : i32
      %dma_wait3A_83 = tpu.memref_slice %arg6[%mul3A_2, %dma_wait3A_81, %dma_wait3A_82] : memref<2560x2x128xi32, #tpu.memory_space<hbm>> -> memref<80x2x128xi32, #tpu.memory_space<hbm>>
      tpu.wait_dma2 semaphore(%run_scoped3A : memref<!tpu.dma_semaphore, #tpu.memory_space<semaphore_mem>>) src(%arg12 : memref<80x2x128xi32, #tpu.memory_space<vmem>>) dst(%dma_wait3A_83 : memref<80x2x128xi32, #tpu.memory_space<hbm>>)
      tpu.yield
    }) : () -> ()
    %barrier3A = arith.constant 0 : index
    tpu.barrier barrier_id(%barrier3A)
    %scan3A_60 = arith.constant 0 : i32
    %scan3A_61 = arith.constant 0 : i32
    %scan3A_62 = arith.constant 10 : i32
    %scan3A_63 = arith.addi %scan3A_61, %scan3A_62 : i32
    %scan3A_64 = arith.constant 1 : i32
    scf.for %scan3A_72 = %scan3A_61 to %scan3A_63 step %scan3A_64  : i32 {
      %mul3A_73 = arith.constant 8 : i32
      %mul3A_74 = arith.muli %scan3A_72, %mul3A_73 : i32
      %add3A_75 = arith.constant 0 : i32
      %add3A_76 = arith.addi %mul3A_74, %add3A_75 : i32
      %dma_start3A_77 = arith.constant 1 : i32
      %dma_start3A_78 = arith.constant 0 : i32
      %dma_start3A_79 = tpu.memref_slice %arg13[%add3A_76, %dma_start3A_78] : memref<80x128xf32, #tpu.memory_space<vmem>> -> memref<1x128xf32, #tpu.memory_space<vmem>>
      %dma_start3A_80 = tpu.memref_squeeze %dma_start3A_79 : memref<1x128xf32, #tpu.memory_space<vmem>> -> memref<128xf32, #tpu.memory_space<vmem>>
      %dma_start3A_81 = arith.constant 0 : i32
      %dma_start3A_82 = tpu.memref_slice %arg12[%add3A_76, %dma_start3A_77, %dma_start3A_81] : memref<80x2x128xi32, #tpu.memory_space<vmem>> -> memref<1x1x128xi32, #tpu.memory_space<vmem>>
      %dma_start3A_83 = tpu.memref_squeeze %dma_start3A_82 : memref<1x1x128xi32, #tpu.memory_space<vmem>> -> memref<128xi32, #tpu.memory_space<vmem>>
      %dma_start3A_84 = arith.constant 0 : i32
      %dma_start3A_85 = tpu.memref_slice %arg15[%dma_start3A_84] : memref<10000xf32, #tpu.memory_space<vmem_shared>> -> memref<10000xf32, #tpu.memory_space<vmem_shared>>
      tpu.enqueue_indirect_dma source(%dma_start3A_80 : memref<128xf32, #tpu.memory_space<vmem>>) target(%dma_start3A_85 : memref<10000xf32, #tpu.memory_space<vmem_shared>>) offsets(%dma_start3A_83 : memref<128xi32, #tpu.memory_space<vmem>>) semaphore(%arg16 : memref<!tpu.dma_semaphore, #tpu.memory_space<semaphore_mem>>) {add = true}
      %mul3A_86 = arith.constant 8 : i32
      %mul3A_87 = arith.muli %scan3A_72, %mul3A_86 : i32
      %add3A_88 = arith.constant 1 : i32
      %add3A_89 = arith.addi %mul3A_87, %add3A_88 : i32
      %dma_start3A_90 = arith.constant 1 : i32
      %dma_start3A_91 = arith.constant 0 : i32
      %dma_start3A_92 = tpu.memref_slice %arg13[%add3A_89, %dma_start3A_91] : memref<80x128xf32, #tpu.memory_space<vmem>> -> memref<1x128xf32, #tpu.memory_space<vmem>>
      %dma_start3A_93 = tpu.memref_squeeze %dma_start3A_92 : memref<1x128xf32, #tpu.memory_space<vmem>> -> memref<128xf32, #tpu.memory_space<vmem>>
      %dma_start3A_94 = arith.constant 0 : i32
      %dma_start3A_95 = tpu.memref_slice %arg12[%add3A_89, %dma_start3A_90, %dma_start3A_94] : memref<80x2x128xi32, #tpu.memory_space<vmem>> -> memref<1x1x128xi32, #tpu.memory_space<vmem>>
      %dma_start3A_96 = tpu.memref_squeeze %dma_start3A_95 : memref<1x1x128xi32, #tpu.memory_space<vmem>> -> memref<128xi32, #tpu.memory_space<vmem>>
      %dma_start3A_97 = arith.constant 0 : i32
      %dma_start3A_98 = tpu.memref_slice %arg15[%dma_start3A_97] : memref<10000xf32, #tpu.memory_space<vmem_shared>> -> memref<10000xf32, #tpu.memory_space<vmem_shared>>
      tpu.enqueue_indirect_dma source(%dma_start3A_93 : memref<128xf32, #tpu.memory_space<vmem>>) target(%dma_start3A_98 : memref<10000xf32, #tpu.memory_space<vmem_shared>>) offsets(%dma_start3A_96 : memref<128xi32, #tpu.memory_space<vmem>>) semaphore(%arg16 : memref<!tpu.dma_semaphore, #tpu.memory_space<semaphore_mem>>) {add = true}
      %mul3A_99 = arith.constant 8 : i32
      %mul3A_100 = arith.muli %scan3A_72, %mul3A_99 : i32
      %add3A_101 = arith.constant 2 : i32
      %add3A_102 = arith.addi %mul3A_100, %add3A_101 : i32
      %dma_start3A_103 = arith.constant 1 : i32
      %dma_start3A_104 = arith.constant 0 : i32
      %dma_start3A_105 = tpu.memref_slice %arg13[%add3A_102, %dma_start3A_104] : memref<80x128xf32, #tpu.memory_space<vmem>> -> memref<1x128xf32, #tpu.memory_space<vmem>>
      %dma_start3A_106 = tpu.memref_squeeze %dma_start3A_105 : memref<1x128xf32, #tpu.memory_space<vmem>> -> memref<128xf32, #tpu.memory_space<vmem>>
      %dma_start3A_107 = arith.constant 0 : i32
      %dma_start3A_108 = tpu.memref_slice %arg12[%add3A_102, %dma_start3A_103, %dma_start3A_107] : memref<80x2x128xi32, #tpu.memory_space<vmem>> -> memref<1x1x128xi32, #tpu.memory_space<vmem>>
      %dma_start3A_109 = tpu.memref_squeeze %dma_start3A_108 : memref<1x1x128xi32, #tpu.memory_space<vmem>> -> memref<128xi32, #tpu.memory_space<vmem>>
      %dma_start3A_110 = arith.constant 0 : i32
      %dma_start3A_111 = tpu.memref_slice %arg15[%dma_start3A_110] : memref<10000xf32, #tpu.memory_space<vmem_shared>> -> memref<10000xf32, #tpu.memory_space<vmem_shared>>
      tpu.enqueue_indirect_dma source(%dma_start3A_106 : memref<128xf32, #tpu.memory_space<vmem>>) target(%dma_start3A_111 : memref<10000xf32, #tpu.memory_space<vmem_shared>>) offsets(%dma_start3A_109 : memref<128xi32, #tpu.memory_space<vmem>>) semaphore(%arg16 : memref<!tpu.dma_semaphore, #tpu.memory_space<semaphore_mem>>) {add = true}
      %mul3A_112 = arith.constant 8 : i32
      %mul3A_113 = arith.muli %scan3A_72, %mul3A_112 : i32
      %add3A_114 = arith.constant 3 : i32
      %add3A_115 = arith.addi %mul3A_113, %add3A_114 : i32
      %dma_start3A_116 = arith.constant 1 : i32
      %dma_start3A_117 = arith.constant 0 : i32
      %dma_start3A_118 = tpu.memref_slice %arg13[%add3A_115, %dma_start3A_117] : memref<80x128xf32, #tpu.memory_space<vmem>> -> memref<1x128xf32, #tpu.memory_space<vmem>>
      %dma_start3A_119 = tpu.memref_squeeze %dma_start3A_118 : memref<1x128xf32, #tpu.memory_space<vmem>> -> memref<128xf32, #tpu.memory_space<vmem>>
      %dma_start3A_120 = arith.constant 0 : i32
      %dma_start3A_121 = tpu.memref_slice %arg12[%add3A_115, %dma_start3A_116, %dma_start3A_120] : memref<80x2x128xi32, #tpu.memory_space<vmem>> -> memref<1x1x128xi32, #tpu.memory_space<vmem>>
      %dma_start3A_122 = tpu.memref_squeeze %dma_start3A_121 : memref<1x1x128xi32, #tpu.memory_space<vmem>> -> memref<128xi32, #tpu.memory_space<vmem>>
      %dma_start3A_123 = arith.constant 0 : i32
      %dma_start3A_124 = tpu.memref_slice %arg15[%dma_start3A_123] : memref<10000xf32, #tpu.memory_space<vmem_shared>> -> memref<10000xf32, #tpu.memory_space<vmem_shared>>
      tpu.enqueue_indirect_dma source(%dma_start3A_119 : memref<128xf32, #tpu.memory_space<vmem>>) target(%dma_start3A_124 : memref<10000xf32, #tpu.memory_space<vmem_shared>>) offsets(%dma_start3A_122 : memref<128xi32, #tpu.memory_space<vmem>>) semaphore(%arg16 : memref<!tpu.dma_semaphore, #tpu.memory_space<semaphore_mem>>) {add = true}
      %mul3A_125 = arith.constant 8 : i32
      %mul3A_126 = arith.muli %scan3A_72, %mul3A_125 : i32
      %add3A_127 = arith.constant 4 : i32
      %add3A_128 = arith.addi %mul3A_126, %add3A_127 : i32
      %dma_start3A_129 = arith.constant 1 : i32
      %dma_start3A_130 = arith.constant 0 : i32
      %dma_start3A_131 = tpu.memref_slice %arg13[%add3A_128, %dma_start3A_130] : memref<80x128xf32, #tpu.memory_space<vmem>> -> memref<1x128xf32, #tpu.memory_space<vmem>>
      %dma_start3A_132 = tpu.memref_squeeze %dma_start3A_131 : memref<1x128xf32, #tpu.memory_space<vmem>> -> memref<128xf32, #tpu.memory_space<vmem>>
      %dma_start3A_133 = arith.constant 0 : i32
      %dma_start3A_134 = tpu.memref_slice %arg12[%add3A_128, %dma_start3A_129, %dma_start3A_133] : memref<80x2x128xi32, #tpu.memory_space<vmem>> -> memref<1x1x128xi32, #tpu.memory_space<vmem>>
      %dma_start3A_135 = tpu.memref_squeeze %dma_start3A_134 : memref<1x1x128xi32, #tpu.memory_space<vmem>> -> memref<128xi32, #tpu.memory_space<vmem>>
      %dma_start3A_136 = arith.constant 0 : i32
      %dma_start3A_137 = tpu.memref_slice %arg15[%dma_start3A_136] : memref<10000xf32, #tpu.memory_space<vmem_shared>> -> memref<10000xf32, #tpu.memory_space<vmem_shared>>
      tpu.enqueue_indirect_dma source(%dma_start3A_132 : memref<128xf32, #tpu.memory_space<vmem>>) target(%dma_start3A_137 : memref<10000xf32, #tpu.memory_space<vmem_shared>>) offsets(%dma_start3A_135 : memref<128xi32, #tpu.memory_space<vmem>>) semaphore(%arg16 : memref<!tpu.dma_semaphore, #tpu.memory_space<semaphore_mem>>) {add = true}
      %mul3A_138 = arith.constant 8 : i32
      %mul3A_139 = arith.muli %scan3A_72, %mul3A_138 : i32
      %add3A_140 = arith.constant 5 : i32
      %add3A_141 = arith.addi %mul3A_139, %add3A_140 : i32
      %dma_start3A_142 = arith.constant 1 : i32
      %dma_start3A_143 = arith.constant 0 : i32
      %dma_start3A_144 = tpu.memref_slice %arg13[%add3A_141, %dma_start3A_143] : memref<80x128xf32, #tpu.memory_space<vmem>> -> memref<1x128xf32, #tpu.memory_space<vmem>>
      %dma_start3A_145 = tpu.memref_squeeze %dma_start3A_144 : memref<1x128xf32, #tpu.memory_space<vmem>> -> memref<128xf32, #tpu.memory_space<vmem>>
      %dma_start3A_146 = arith.constant 0 : i32
      %dma_start3A_147 = tpu.memref_slice %arg12[%add3A_141, %dma_start3A_142, %dma_start3A_146] : memref<80x2x128xi32, #tpu.memory_space<vmem>> -> memref<1x1x128xi32, #tpu.memory_space<vmem>>
      %dma_start3A_148 = tpu.memref_squeeze %dma_start3A_147 : memref<1x1x128xi32, #tpu.memory_space<vmem>> -> memref<128xi32, #tpu.memory_space<vmem>>
      %dma_start3A_149 = arith.constant 0 : i32
      %dma_start3A_150 = tpu.memref_slice %arg15[%dma_start3A_149] : memref<10000xf32, #tpu.memory_space<vmem_shared>> -> memref<10000xf32, #tpu.memory_space<vmem_shared>>
      tpu.enqueue_indirect_dma source(%dma_start3A_145 : memref<128xf32, #tpu.memory_space<vmem>>) target(%dma_start3A_150 : memref<10000xf32, #tpu.memory_space<vmem_shared>>) offsets(%dma_start3A_148 : memref<128xi32, #tpu.memory_space<vmem>>) semaphore(%arg16 : memref<!tpu.dma_semaphore, #tpu.memory_space<semaphore_mem>>) {add = true}
      %mul3A_151 = arith.constant 8 : i32
      %mul3A_152 = arith.muli %scan3A_72, %mul3A_151 : i32
      %add3A_153 = arith.constant 6 : i32
      %add3A_154 = arith.addi %mul3A_152, %add3A_153 : i32
      %dma_start3A_155 = arith.constant 1 : i32
      %dma_start3A_156 = arith.constant 0 : i32
      %dma_start3A_157 = tpu.memref_slice %arg13[%add3A_154, %dma_start3A_156] : memref<80x128xf32, #tpu.memory_space<vmem>> -> memref<1x128xf32, #tpu.memory_space<vmem>>
      %dma_start3A_158 = tpu.memref_squeeze %dma_start3A_157 : memref<1x128xf32, #tpu.memory_space<vmem>> -> memref<128xf32, #tpu.memory_space<vmem>>
      %dma_start3A_159 = arith.constant 0 : i32
      %dma_start3A_160 = tpu.memref_slice %arg12[%add3A_154, %dma_start3A_155, %dma_start3A_159] : memref<80x2x128xi32, #tpu.memory_space<vmem>> -> memref<1x1x128xi32, #tpu.memory_space<vmem>>
      %dma_start3A_161 = tpu.memref_squeeze %dma_start3A_160 : memref<1x1x128xi32, #tpu.memory_space<vmem>> -> memref<128xi32, #tpu.memory_space<vmem>>
      %dma_start3A_162 = arith.constant 0 : i32
      %dma_start3A_163 = tpu.memref_slice %arg15[%dma_start3A_162] : memref<10000xf32, #tpu.memory_space<vmem_shared>> -> memref<10000xf32, #tpu.memory_space<vmem_shared>>
      tpu.enqueue_indirect_dma source(%dma_start3A_158 : memref<128xf32, #tpu.memory_space<vmem>>) target(%dma_start3A_163 : memref<10000xf32, #tpu.memory_space<vmem_shared>>) offsets(%dma_start3A_161 : memref<128xi32, #tpu.memory_space<vmem>>) semaphore(%arg16 : memref<!tpu.dma_semaphore, #tpu.memory_space<semaphore_mem>>) {add = true}
      %mul3A_164 = arith.constant 8 : i32
      %mul3A_165 = arith.muli %scan3A_72, %mul3A_164 : i32
      %add3A_166 = arith.constant 7 : i32
      %add3A_167 = arith.addi %mul3A_165, %add3A_166 : i32
      %dma_start3A_168 = arith.constant 1 : i32
      %dma_start3A_169 = arith.constant 0 : i32
      %dma_start3A_170 = tpu.memref_slice %arg13[%add3A_167, %dma_start3A_169] : memref<80x128xf32, #tpu.memory_space<vmem>> -> memref<1x128xf32, #tpu.memory_space<vmem>>
      %dma_start3A_171 = tpu.memref_squeeze %dma_start3A_170 : memref<1x128xf32, #tpu.memory_space<vmem>> -> memref<128xf32, #tpu.memory_space<vmem>>
      %dma_start3A_172 = arith.constant 0 : i32
      %dma_start3A_173 = tpu.memref_slice %arg12[%add3A_167, %dma_start3A_168, %dma_start3A_172] : memref<80x2x128xi32, #tpu.memory_space<vmem>> -> memref<1x1x128xi32, #tpu.memory_space<vmem>>
      %dma_start3A_174 = tpu.memref_squeeze %dma_start3A_173 : memref<1x1x128xi32, #tpu.memory_space<vmem>> -> memref<128xi32, #tpu.memory_space<vmem>>
      %dma_start3A_175 = arith.constant 0 : i32
      %dma_start3A_176 = tpu.memref_slice %arg15[%dma_start3A_175] : memref<10000xf32, #tpu.memory_space<vmem_shared>> -> memref<10000xf32, #tpu.memory_space<vmem_shared>>
      tpu.enqueue_indirect_dma source(%dma_start3A_171 : memref<128xf32, #tpu.memory_space<vmem>>) target(%dma_start3A_176 : memref<10000xf32, #tpu.memory_space<vmem_shared>>) offsets(%dma_start3A_174 : memref<128xi32, #tpu.memory_space<vmem>>) semaphore(%arg16 : memref<!tpu.dma_semaphore, #tpu.memory_space<semaphore_mem>>) {add = true}
      %mul3A_177 = arith.constant 8 : i32
      %mul3A_178 = arith.muli %scan3A_72, %mul3A_177 : i32
      %add3A_179 = arith.constant 0 : i32
      %add3A_180 = arith.addi %mul3A_178, %add3A_179 : i32
      %dma_wait3A_181 = arith.constant 1 : i32
      %dma_wait3A_182 = arith.constant 0 : i32
      %dma_wait3A_183 = tpu.memref_slice %arg13[%add3A_180, %dma_wait3A_182] : memref<80x128xf32, #tpu.memory_space<vmem>> -> memref<1x128xf32, #tpu.memory_space<vmem>>
      %dma_wait3A_184 = tpu.memref_squeeze %dma_wait3A_183 : memref<1x128xf32, #tpu.memory_space<vmem>> -> memref<128xf32, #tpu.memory_space<vmem>>
      %dma_wait3A_185 = arith.constant 0 : i32
      %dma_wait3A_186 = tpu.memref_slice %arg12[%add3A_180, %dma_wait3A_181, %dma_wait3A_185] : memref<80x2x128xi32, #tpu.memory_space<vmem>> -> memref<1x1x128xi32, #tpu.memory_space<vmem>>
      %dma_wait3A_187 = tpu.memref_squeeze %dma_wait3A_186 : memref<1x1x128xi32, #tpu.memory_space<vmem>> -> memref<128xi32, #tpu.memory_space<vmem>>
      %dma_wait3A_188 = arith.constant 0 : i32
      %dma_wait3A_189 = tpu.memref_slice %arg15[%dma_wait3A_188] : memref<10000xf32, #tpu.memory_space<vmem_shared>> -> memref<10000xf32, #tpu.memory_space<vmem_shared>>
      tpu.wait_indirect_dma semaphore(%arg16 : memref<!tpu.dma_semaphore, #tpu.memory_space<semaphore_mem>>) src(%dma_wait3A_184 : memref<128xf32, #tpu.memory_space<vmem>>) dst(%dma_wait3A_189 : memref<10000xf32, #tpu.memory_space<vmem_shared>>)
      %mul3A_190 = arith.constant 8 : i32
      %mul3A_191 = arith.muli %scan3A_72, %mul3A_190 : i32
      %add3A_192 = arith.constant 1 : i32
      %add3A_193 = arith.addi %mul3A_191, %add3A_192 : i32
      %dma_wait3A_194 = arith.constant 1 : i32
      %dma_wait3A_195 = arith.constant 0 : i32
      %dma_wait3A_196 = tpu.memref_slice %arg13[%add3A_193, %dma_wait3A_195] : memref<80x128xf32, #tpu.memory_space<vmem>> -> memref<1x128xf32, #tpu.memory_space<vmem>>
      %dma_wait3A_197 = tpu.memref_squeeze %dma_wait3A_196 : memref<1x128xf32, #tpu.memory_space<vmem>> -> memref<128xf32, #tpu.memory_space<vmem>>
      %dma_wait3A_198 = arith.constant 0 : i32
      %dma_wait3A_199 = tpu.memref_slice %arg12[%add3A_193, %dma_wait3A_194, %dma_wait3A_198] : memref<80x2x128xi32, #tpu.memory_space<vmem>> -> memref<1x1x128xi32, #tpu.memory_space<vmem>>
      %dma_wait3A_200 = tpu.memref_squeeze %dma_wait3A_199 : memref<1x1x128xi32, #tpu.memory_space<vmem>> -> memref<128xi32, #tpu.memory_space<vmem>>
      %dma_wait3A_201 = arith.constant 0 : i32
      %dma_wait3A_202 = tpu.memref_slice %arg15[%dma_wait3A_201] : memref<10000xf32, #tpu.memory_space<vmem_shared>> -> memref<10000xf32, #tpu.memory_space<vmem_shared>>
      tpu.wait_indirect_dma semaphore(%arg16 : memref<!tpu.dma_semaphore, #tpu.memory_space<semaphore_mem>>) src(%dma_wait3A_197 : memref<128xf32, #tpu.memory_space<vmem>>) dst(%dma_wait3A_202 : memref<10000xf32, #tpu.memory_space<vmem_shared>>)
      %mul3A_203 = arith.constant 8 : i32
      %mul3A_204 = arith.muli %scan3A_72, %mul3A_203 : i32
      %add3A_205 = arith.constant 2 : i32
      %add3A_206 = arith.addi %mul3A_204, %add3A_205 : i32
      %dma_wait3A_207 = arith.constant 1 : i32
      %dma_wait3A_208 = arith.constant 0 : i32
      %dma_wait3A_209 = tpu.memref_slice %arg13[%add3A_206, %dma_wait3A_208] : memref<80x128xf32, #tpu.memory_space<vmem>> -> memref<1x128xf32, #tpu.memory_space<vmem>>
      %dma_wait3A_210 = tpu.memref_squeeze %dma_wait3A_209 : memref<1x128xf32, #tpu.memory_space<vmem>> -> memref<128xf32, #tpu.memory_space<vmem>>
      %dma_wait3A_211 = arith.constant 0 : i32
      %dma_wait3A_212 = tpu.memref_slice %arg12[%add3A_206, %dma_wait3A_207, %dma_wait3A_211] : memref<80x2x128xi32, #tpu.memory_space<vmem>> -> memref<1x1x128xi32, #tpu.memory_space<vmem>>
      %dma_wait3A_213 = tpu.memref_squeeze %dma_wait3A_212 : memref<1x1x128xi32, #tpu.memory_space<vmem>> -> memref<128xi32, #tpu.memory_space<vmem>>
      %dma_wait3A_214 = arith.constant 0 : i32
      %dma_wait3A_215 = tpu.memref_slice %arg15[%dma_wait3A_214] : memref<10000xf32, #tpu.memory_space<vmem_shared>> -> memref<10000xf32, #tpu.memory_space<vmem_shared>>
      tpu.wait_indirect_dma semaphore(%arg16 : memref<!tpu.dma_semaphore, #tpu.memory_space<semaphore_mem>>) src(%dma_wait3A_210 : memref<128xf32, #tpu.memory_space<vmem>>) dst(%dma_wait3A_215 : memref<10000xf32, #tpu.memory_space<vmem_shared>>)
      %mul3A_216 = arith.constant 8 : i32
      %mul3A_217 = arith.muli %scan3A_72, %mul3A_216 : i32
      %add3A_218 = arith.constant 3 : i32
      %add3A_219 = arith.addi %mul3A_217, %add3A_218 : i32
      %dma_wait3A_220 = arith.constant 1 : i32
      %dma_wait3A_221 = arith.constant 0 : i32
      %dma_wait3A_222 = tpu.memref_slice %arg13[%add3A_219, %dma_wait3A_221] : memref<80x128xf32, #tpu.memory_space<vmem>> -> memref<1x128xf32, #tpu.memory_space<vmem>>
      %dma_wait3A_223 = tpu.memref_squeeze %dma_wait3A_222 : memref<1x128xf32, #tpu.memory_space<vmem>> -> memref<128xf32, #tpu.memory_space<vmem>>
      %dma_wait3A_224 = arith.constant 0 : i32
      %dma_wait3A_225 = tpu.memref_slice %arg12[%add3A_219, %dma_wait3A_220, %dma_wait3A_224] : memref<80x2x128xi32, #tpu.memory_space<vmem>> -> memref<1x1x128xi32, #tpu.memory_space<vmem>>
      %dma_wait3A_226 = tpu.memref_squeeze %dma_wait3A_225 : memref<1x1x128xi32, #tpu.memory_space<vmem>> -> memref<128xi32, #tpu.memory_space<vmem>>
      %dma_wait3A_227 = arith.constant 0 : i32
      %dma_wait3A_228 = tpu.memref_slice %arg15[%dma_wait3A_227] : memref<10000xf32, #tpu.memory_space<vmem_shared>> -> memref<10000xf32, #tpu.memory_space<vmem_shared>>
      tpu.wait_indirect_dma semaphore(%arg16 : memref<!tpu.dma_semaphore, #tpu.memory_space<semaphore_mem>>) src(%dma_wait3A_223 : memref<128xf32, #tpu.memory_space<vmem>>) dst(%dma_wait3A_228 : memref<10000xf32, #tpu.memory_space<vmem_shared>>)
      %mul3A_229 = arith.constant 8 : i32
      %mul3A_230 = arith.muli %scan3A_72, %mul3A_229 : i32
      %add3A_231 = arith.constant 4 : i32
      %add3A_232 = arith.addi %mul3A_230, %add3A_231 : i32
      %dma_wait3A_233 = arith.constant 1 : i32
      %dma_wait3A_234 = arith.constant 0 : i32
      %dma_wait3A_235 = tpu.memref_slice %arg13[%add3A_232, %dma_wait3A_234] : memref<80x128xf32, #tpu.memory_space<vmem>> -> memref<1x128xf32, #tpu.memory_space<vmem>>
      %dma_wait3A_236 = tpu.memref_squeeze %dma_wait3A_235 : memref<1x128xf32, #tpu.memory_space<vmem>> -> memref<128xf32, #tpu.memory_space<vmem>>
      %dma_wait3A_237 = arith.constant 0 : i32
      %dma_wait3A_238 = tpu.memref_slice %arg12[%add3A_232, %dma_wait3A_233, %dma_wait3A_237] : memref<80x2x128xi32, #tpu.memory_space<vmem>> -> memref<1x1x128xi32, #tpu.memory_space<vmem>>
      %dma_wait3A_239 = tpu.memref_squeeze %dma_wait3A_238 : memref<1x1x128xi32, #tpu.memory_space<vmem>> -> memref<128xi32, #tpu.memory_space<vmem>>
      %dma_wait3A_240 = arith.constant 0 : i32
      %dma_wait3A_241 = tpu.memref_slice %arg15[%dma_wait3A_240] : memref<10000xf32, #tpu.memory_space<vmem_shared>> -> memref<10000xf32, #tpu.memory_space<vmem_shared>>
      tpu.wait_indirect_dma semaphore(%arg16 : memref<!tpu.dma_semaphore, #tpu.memory_space<semaphore_mem>>) src(%dma_wait3A_236 : memref<128xf32, #tpu.memory_space<vmem>>) dst(%dma_wait3A_241 : memref<10000xf32, #tpu.memory_space<vmem_shared>>)
      %mul3A_242 = arith.constant 8 : i32
      %mul3A_243 = arith.muli %scan3A_72, %mul3A_242 : i32
      %add3A_244 = arith.constant 5 : i32
      %add3A_245 = arith.addi %mul3A_243, %add3A_244 : i32
      %dma_wait3A_246 = arith.constant 1 : i32
      %dma_wait3A_247 = arith.constant 0 : i32
      %dma_wait3A_248 = tpu.memref_slice %arg13[%add3A_245, %dma_wait3A_247] : memref<80x128xf32, #tpu.memory_space<vmem>> -> memref<1x128xf32, #tpu.memory_space<vmem>>
      %dma_wait3A_249 = tpu.memref_squeeze %dma_wait3A_248 : memref<1x128xf32, #tpu.memory_space<vmem>> -> memref<128xf32, #tpu.memory_space<vmem>>
      %dma_wait3A_250 = arith.constant 0 : i32
      %dma_wait3A_251 = tpu.memref_slice %arg12[%add3A_245, %dma_wait3A_246, %dma_wait3A_250] : memref<80x2x128xi32, #tpu.memory_space<vmem>> -> memref<1x1x128xi32, #tpu.memory_space<vmem>>
      %dma_wait3A_252 = tpu.memref_squeeze %dma_wait3A_251 : memref<1x1x128xi32, #tpu.memory_space<vmem>> -> memref<128xi32, #tpu.memory_space<vmem>>
      %dma_wait3A_253 = arith.constant 0 : i32
      %dma_wait3A_254 = tpu.memref_slice %arg15[%dma_wait3A_253] : memref<10000xf32, #tpu.memory_space<vmem_shared>> -> memref<10000xf32, #tpu.memory_space<vmem_shared>>
      tpu.wait_indirect_dma semaphore(%arg16 : memref<!tpu.dma_semaphore, #tpu.memory_space<semaphore_mem>>) src(%dma_wait3A_249 : memref<128xf32, #tpu.memory_space<vmem>>) dst(%dma_wait3A_254 : memref<10000xf32, #tpu.memory_space<vmem_shared>>)
      %mul3A_255 = arith.constant 8 : i32
      %mul3A_256 = arith.muli %scan3A_72, %mul3A_255 : i32
      %add3A_257 = arith.constant 6 : i32
      %add3A_258 = arith.addi %mul3A_256, %add3A_257 : i32
      %dma_wait3A_259 = arith.constant 1 : i32
      %dma_wait3A_260 = arith.constant 0 : i32
      %dma_wait3A_261 = tpu.memref_slice %arg13[%add3A_258, %dma_wait3A_260] : memref<80x128xf32, #tpu.memory_space<vmem>> -> memref<1x128xf32, #tpu.memory_space<vmem>>
      %dma_wait3A_262 = tpu.memref_squeeze %dma_wait3A_261 : memref<1x128xf32, #tpu.memory_space<vmem>> -> memref<128xf32, #tpu.memory_space<vmem>>
      %dma_wait3A_263 = arith.constant 0 : i32
      %dma_wait3A_264 = tpu.memref_slice %arg12[%add3A_258, %dma_wait3A_259, %dma_wait3A_263] : memref<80x2x128xi32, #tpu.memory_space<vmem>> -> memref<1x1x128xi32, #tpu.memory_space<vmem>>
      %dma_wait3A_265 = tpu.memref_squeeze %dma_wait3A_264 : memref<1x1x128xi32, #tpu.memory_space<vmem>> -> memref<128xi32, #tpu.memory_space<vmem>>
      %dma_wait3A_266 = arith.constant 0 : i32
      %dma_wait3A_267 = tpu.memref_slice %arg15[%dma_wait3A_266] : memref<10000xf32, #tpu.memory_space<vmem_shared>> -> memref<10000xf32, #tpu.memory_space<vmem_shared>>
      tpu.wait_indirect_dma semaphore(%arg16 : memref<!tpu.dma_semaphore, #tpu.memory_space<semaphore_mem>>) src(%dma_wait3A_262 : memref<128xf32, #tpu.memory_space<vmem>>) dst(%dma_wait3A_267 : memref<10000xf32, #tpu.memory_space<vmem_shared>>)
      %mul3A_268 = arith.constant 8 : i32
      %mul3A_269 = arith.muli %scan3A_72, %mul3A_268 : i32
      %add3A_270 = arith.constant 7 : i32
      %add3A_271 = arith.addi %mul3A_269, %add3A_270 : i32
      %dma_wait3A_272 = arith.constant 1 : i32
      %dma_wait3A_273 = arith.constant 0 : i32
      %dma_wait3A_274 = tpu.memref_slice %arg13[%add3A_271, %dma_wait3A_273] : memref<80x128xf32, #tpu.memory_space<vmem>> -> memref<1x128xf32, #tpu.memory_space<vmem>>
      %dma_wait3A_275 = tpu.memref_squeeze %dma_wait3A_274 : memref<1x128xf32, #tpu.memory_space<vmem>> -> memref<128xf32, #tpu.memory_space<vmem>>
      %dma_wait3A_276 = arith.constant 0 : i32
      %dma_wait3A_277 = tpu.memref_slice %arg12[%add3A_271, %dma_wait3A_272, %dma_wait3A_276] : memref<80x2x128xi32, #tpu.memory_space<vmem>> -> memref<1x1x128xi32, #tpu.memory_space<vmem>>
      %dma_wait3A_278 = tpu.memref_squeeze %dma_wait3A_277 : memref<1x1x128xi32, #tpu.memory_space<vmem>> -> memref<128xi32, #tpu.memory_space<vmem>>
      %dma_wait3A_279 = arith.constant 0 : i32
      %dma_wait3A_280 = tpu.memref_slice %arg15[%dma_wait3A_279] : memref<10000xf32, #tpu.memory_space<vmem_shared>> -> memref<10000xf32, #tpu.memory_space<vmem_shared>>
      tpu.wait_indirect_dma semaphore(%arg16 : memref<!tpu.dma_semaphore, #tpu.memory_space<semaphore_mem>>) src(%dma_wait3A_275 : memref<128xf32, #tpu.memory_space<vmem>>) dst(%dma_wait3A_280 : memref<10000xf32, #tpu.memory_space<vmem_shared>>)
    }
    %scan3A_65 = arith.constant 10 : i32
    %barrier3A_66 = arith.constant 0 : index
    tpu.barrier barrier_id(%barrier3A_66)
    %eq3A_67 = arith.constant 0 : i32
    %eq3A_68 = arith.cmpi eq, %arg1, %eq3A_67 : i32
    %convert_element_type3A_69 = arith.extui %eq3A_68 : i1 to i32
    %cond3A_70 = arith.constant 0 : i32
    %cond3A_71 = arith.cmpi ne, %convert_element_type3A_69, %cond3A_70 : i32
    scf.if %cond3A_71 {
      "tpu.region"() ({
        %run_scoped3A = tpu.sem_alloc : memref<!tpu.dma_semaphore, #tpu.memory_space<semaphore_mem>>
        tpu.enqueue_dma source(%arg15 : memref<10000xf32, #tpu.memory_space<vmem_shared>>) target(%arg14 : memref<10000xf32, #tpu.memory_space<vmem>>) target_semaphore(%run_scoped3A : memref<!tpu.dma_semaphore, #tpu.memory_space<semaphore_mem>>)
        tpu.wait_dma2 semaphore(%run_scoped3A : memref<!tpu.dma_semaphore, #tpu.memory_space<semaphore_mem>>) src(%arg15 : memref<10000xf32, #tpu.memory_space<vmem_shared>>) dst(%arg14 : memref<10000xf32, #tpu.memory_space<vmem>>)
        tpu.yield
      }) : () -> ()
      %eq3A_72 = arith.constant 0 : i32
      %eq3A_73 = arith.cmpi eq, %arg0, %eq3A_72 : i32
      %convert_element_type3A_74 = arith.extui %eq3A_73 : i1 to i32
      %cond3A_75 = arith.constant 0 : i32
      %cond3A_76 = arith.cmpi ne, %convert_element_type3A_74, %cond3A_75 : i32
      scf.if %cond3A_76 {
        "tpu.region"() ({
          %run_scoped3A = tpu.sem_alloc : memref<!tpu.dma_semaphore, #tpu.memory_space<semaphore_mem>>
          tpu.enqueue_dma source(%arg14 : memref<10000xf32, #tpu.memory_space<vmem>>) target(%arg7 : memref<10000xf32, #tpu.memory_space<hbm>>) target_semaphore(%run_scoped3A : memref<!tpu.dma_semaphore, #tpu.memory_space<semaphore_mem>>)
          tpu.wait_dma2 semaphore(%run_scoped3A : memref<!tpu.dma_semaphore, #tpu.memory_space<semaphore_mem>>) src(%arg14 : memref<10000xf32, #tpu.memory_space<vmem>>) dst(%arg7 : memref<10000xf32, #tpu.memory_space<hbm>>)
          tpu.yield
        }) : () -> ()
      } else {
      }
      %eq3A_77 = arith.constant 1 : i32
      %eq3A_78 = arith.cmpi eq, %arg0, %eq3A_77 : i32
      %convert_element_type3A_79 = arith.extui %eq3A_78 : i1 to i32
      %cond3A_80 = arith.constant 0 : i32
      %cond3A_81 = arith.cmpi ne, %convert_element_type3A_79, %cond3A_80 : i32
      scf.if %cond3A_81 {
        "tpu.region"() ({
          %run_scoped3A = tpu.sem_alloc : memref<!tpu.dma_semaphore, #tpu.memory_space<semaphore_mem>>
          tpu.enqueue_dma source(%arg14 : memref<10000xf32, #tpu.memory_space<vmem>>) target(%arg8 : memref<10000xf32, #tpu.memory_space<hbm>>) target_semaphore(%run_scoped3A : memref<!tpu.dma_semaphore, #tpu.memory_space<semaphore_mem>>)
          tpu.wait_dma2 semaphore(%run_scoped3A : memref<!tpu.dma_semaphore, #tpu.memory_space<semaphore_mem>>) src(%arg14 : memref<10000xf32, #tpu.memory_space<vmem>>) dst(%arg8 : memref<10000xf32, #tpu.memory_space<hbm>>)
          tpu.yield
        }) : () -> ()
      } else {
      }
    } else {
    }
    return
  }
}

#map = affine_map<(d0, d1) -> (0, 0)>
#map1 = affine_map<(d0, d1) -> (0, 0, 0)>
module attributes {stable_mosaic.version = 14 : i64} {
  func.func @_sc_msg(%arg0: i32, %arg1: i32, %arg2: memref<1000x128xf32, #tpu.memory_space<hbm>>, %arg3: memref<2560x2x128xi32, #tpu.memory_space<hbm>>, %arg4: memref<170000x128xf32, #tpu.memory_space<hbm>>, %arg5: memref<2x10000x128xf32, #tpu.memory_space<hbm>>, %arg6: memref<2x128xi32, #tpu.memory_space<vmem>>, %arg7: memref<2x128xi32, #tpu.memory_space<vmem>>, %arg8: memref<2x128xi32, #tpu.memory_space<vmem>>, %arg9: memref<128x128xf32, #tpu.memory_space<vmem>>, %arg10: memref<128x128xf32, #tpu.memory_space<vmem>>, %arg11: memref<128x128xf32, #tpu.memory_space<vmem>>, %arg12: memref<10000x128xf32, #tpu.memory_space<vmem_shared>>, %arg13: memref<!tpu.dma_semaphore, #tpu.memory_space<semaphore_mem>>, %arg14: memref<!tpu.dma_semaphore, #tpu.memory_space<semaphore_mem>>, %arg15: memref<!tpu.dma_semaphore, #tpu.memory_space<semaphore_mem>>, %arg16: memref<!tpu.dma_semaphore, #tpu.memory_space<semaphore_mem>>, %arg17: memref<!tpu.dma_semaphore, #tpu.memory_space<semaphore_mem>>, %arg18: memref<!tpu.dma_semaphore, #tpu.memory_space<semaphore_mem>>) attributes {dimension_semantics = [#tpu.dimension_semantics<core_parallel>, #tpu.dimension_semantics<subcore_parallel>], iteration_bounds = array<i64: 2, 16>, scalar_prefetch = 0 : i64, scratch_operands = 13 : i64, tpu.core_type = #tpu.core_type<sc_vector_subcore>, window_params = [{transform_indices = #map}, {transform_indices = #map1}, {transform_indices = #map}, {transform_indices = #map1}]} {
    %mul3A = arith.constant 2 : i32
    %mul3A_0 = arith.muli %arg1, %mul3A : i32
    %add3A = arith.addi %mul3A_0, %arg0 : i32
    %mul3A_1 = arith.constant 80 : i32
    %mul3A_2 = arith.muli %add3A, %mul3A_1 : i32
    %lt3A = arith.constant 10 : i32
    %lt3A_3 = arith.cmpi slt, %arg1, %lt3A : i32
    %convert_element_type3A = arith.extui %lt3A_3 : i1 to i32
    %cond3A = arith.constant 0 : i32
    %cond3A_4 = arith.cmpi ne, %convert_element_type3A, %cond3A : i32
    scf.if %cond3A_4 {
      %mul3A_79 = arith.constant 1000 : i32
      %mul3A_80 = arith.muli %arg1, %mul3A_79 : i32
      "tpu.region"() ({
        %run_scoped3A = tpu.sem_alloc : memref<!tpu.dma_semaphore, #tpu.memory_space<semaphore_mem>>
        %dma_start3A_81 = arith.constant 0 : i32
        %dma_start3A_82 = tpu.memref_slice %arg12[%mul3A_80, %dma_start3A_81] : memref<10000x128xf32, #tpu.memory_space<vmem_shared>> -> memref<1000x128xf32, #tpu.memory_space<vmem_shared>>
        tpu.enqueue_dma source(%arg2 : memref<1000x128xf32, #tpu.memory_space<hbm>>) target(%dma_start3A_82 : memref<1000x128xf32, #tpu.memory_space<vmem_shared>>) target_semaphore(%run_scoped3A : memref<!tpu.dma_semaphore, #tpu.memory_space<semaphore_mem>>)
        %dma_wait3A_83 = arith.constant 0 : i32
        %dma_wait3A_84 = tpu.memref_slice %arg12[%mul3A_80, %dma_wait3A_83] : memref<10000x128xf32, #tpu.memory_space<vmem_shared>> -> memref<1000x128xf32, #tpu.memory_space<vmem_shared>>
        tpu.wait_dma2 semaphore(%run_scoped3A : memref<!tpu.dma_semaphore, #tpu.memory_space<semaphore_mem>>) src(%arg2 : memref<1000x128xf32, #tpu.memory_space<hbm>>) dst(%dma_wait3A_84 : memref<1000x128xf32, #tpu.memory_space<vmem_shared>>)
        tpu.yield
      }) : () -> ()
    } else {
    }
    %barrier3A = arith.constant 0 : index
    tpu.barrier barrier_id(%barrier3A)
    "tpu.region"() ({
      %run_scoped3A = tpu.sem_alloc : memref<!tpu.dma_semaphore, #tpu.memory_space<semaphore_mem>>
      %dma_start3A_79 = arith.constant 0 : i32
      %dma_start3A_80 = arith.constant 0 : i32
      %dma_start3A_81 = tpu.memref_slice %arg3[%mul3A_2, %dma_start3A_79, %dma_start3A_80] : memref<2560x2x128xi32, #tpu.memory_space<hbm>> -> memref<1x2x128xi32, #tpu.memory_space<hbm>>
      %dma_start3A_82 = tpu.memref_squeeze %dma_start3A_81 : memref<1x2x128xi32, #tpu.memory_space<hbm>> -> memref<2x128xi32, #tpu.memory_space<hbm>>
      %dma_start3A_83 = arith.constant 0 : i32
      %dma_start3A_84 = arith.constant 0 : i32
      %dma_start3A_85 = tpu.memref_slice %arg3[%mul3A_2, %dma_start3A_83, %dma_start3A_84] : memref<2560x2x128xi32, #tpu.memory_space<hbm>> -> memref<1x2x128xi32, #tpu.memory_space<hbm>>
      %dma_start3A_86 = tpu.memref_squeeze %dma_start3A_85 : memref<1x2x128xi32, #tpu.memory_space<hbm>> -> memref<2x128xi32, #tpu.memory_space<hbm>>
      tpu.enqueue_dma source(%dma_start3A_86 : memref<2x128xi32, #tpu.memory_space<hbm>>) target(%arg6 : memref<2x128xi32, #tpu.memory_space<vmem>>) target_semaphore(%run_scoped3A : memref<!tpu.dma_semaphore, #tpu.memory_space<semaphore_mem>>)
      %dma_wait3A_87 = arith.constant 0 : i32
      %dma_wait3A_88 = arith.constant 0 : i32
      %dma_wait3A_89 = tpu.memref_slice %arg3[%mul3A_2, %dma_wait3A_87, %dma_wait3A_88] : memref<2560x2x128xi32, #tpu.memory_space<hbm>> -> memref<1x2x128xi32, #tpu.memory_space<hbm>>
      %dma_wait3A_90 = tpu.memref_squeeze %dma_wait3A_89 : memref<1x2x128xi32, #tpu.memory_space<hbm>> -> memref<2x128xi32, #tpu.memory_space<hbm>>
      %dma_wait3A_91 = arith.constant 0 : i32
      %dma_wait3A_92 = arith.constant 0 : i32
      %dma_wait3A_93 = tpu.memref_slice %arg3[%mul3A_2, %dma_wait3A_91, %dma_wait3A_92] : memref<2560x2x128xi32, #tpu.memory_space<hbm>> -> memref<1x2x128xi32, #tpu.memory_space<hbm>>
      %dma_wait3A_94 = tpu.memref_squeeze %dma_wait3A_93 : memref<1x2x128xi32, #tpu.memory_space<hbm>> -> memref<2x128xi32, #tpu.memory_space<hbm>>
      tpu.wait_dma2 semaphore(%run_scoped3A : memref<!tpu.dma_semaphore, #tpu.memory_space<semaphore_mem>>) src(%dma_wait3A_94 : memref<2x128xi32, #tpu.memory_space<hbm>>) dst(%arg6 : memref<2x128xi32, #tpu.memory_space<vmem>>)
      tpu.yield
    }) : () -> ()
    %dma_start3A = arith.constant 0 : i32
    %dma_start3A_5 = arith.constant 0 : i32
    %dma_start3A_6 = tpu.memref_slice %arg6[%dma_start3A, %dma_start3A_5] : memref<2x128xi32, #tpu.memory_space<vmem>> -> memref<1x128xi32, #tpu.memory_space<vmem>>
    %dma_start3A_7 = tpu.memref_squeeze %dma_start3A_6 : memref<1x128xi32, #tpu.memory_space<vmem>> -> memref<128xi32, #tpu.memory_space<vmem>>
    %dma_start3A_8 = arith.constant 0 : i32
    %dma_start3A_9 = arith.constant 0 : i32
    %dma_start3A_10 = tpu.memref_slice %arg4[%dma_start3A_8, %dma_start3A_9] : memref<170000x128xf32, #tpu.memory_space<hbm>> -> memref<170000x128xf32, #tpu.memory_space<hbm>>
    tpu.enqueue_indirect_dma source(%dma_start3A_10 : memref<170000x128xf32, #tpu.memory_space<hbm>>) target(%arg9 : memref<128x128xf32, #tpu.memory_space<vmem>>) offsets(%dma_start3A_7 : memref<128xi32, #tpu.memory_space<vmem>>) semaphore(%arg13 : memref<!tpu.dma_semaphore, #tpu.memory_space<semaphore_mem>>)
    %add3A_11 = arith.constant 1 : i32
    %add3A_12 = arith.addi %mul3A_2, %add3A_11 : i32
    "tpu.region"() ({
      %run_scoped3A = tpu.sem_alloc : memref<!tpu.dma_semaphore, #tpu.memory_space<semaphore_mem>>
      %dma_start3A_79 = arith.constant 0 : i32
      %dma_start3A_80 = arith.constant 0 : i32
      %dma_start3A_81 = tpu.memref_slice %arg3[%add3A_12, %dma_start3A_79, %dma_start3A_80] : memref<2560x2x128xi32, #tpu.memory_space<hbm>> -> memref<1x2x128xi32, #tpu.memory_space<hbm>>
      %dma_start3A_82 = tpu.memref_squeeze %dma_start3A_81 : memref<1x2x128xi32, #tpu.memory_space<hbm>> -> memref<2x128xi32, #tpu.memory_space<hbm>>
      %dma_start3A_83 = arith.constant 0 : i32
      %dma_start3A_84 = arith.constant 0 : i32
      %dma_start3A_85 = tpu.memref_slice %arg3[%add3A_12, %dma_start3A_83, %dma_start3A_84] : memref<2560x2x128xi32, #tpu.memory_space<hbm>> -> memref<1x2x128xi32, #tpu.memory_space<hbm>>
      %dma_start3A_86 = tpu.memref_squeeze %dma_start3A_85 : memref<1x2x128xi32, #tpu.memory_space<hbm>> -> memref<2x128xi32, #tpu.memory_space<hbm>>
      tpu.enqueue_dma source(%dma_start3A_86 : memref<2x128xi32, #tpu.memory_space<hbm>>) target(%arg7 : memref<2x128xi32, #tpu.memory_space<vmem>>) target_semaphore(%run_scoped3A : memref<!tpu.dma_semaphore, #tpu.memory_space<semaphore_mem>>)
      %dma_wait3A_87 = arith.constant 0 : i32
      %dma_wait3A_88 = arith.constant 0 : i32
      %dma_wait3A_89 = tpu.memref_slice %arg3[%add3A_12, %dma_wait3A_87, %dma_wait3A_88] : memref<2560x2x128xi32, #tpu.memory_space<hbm>> -> memref<1x2x128xi32, #tpu.memory_space<hbm>>
      %dma_wait3A_90 = tpu.memref_squeeze %dma_wait3A_89 : memref<1x2x128xi32, #tpu.memory_space<hbm>> -> memref<2x128xi32, #tpu.memory_space<hbm>>
      %dma_wait3A_91 = arith.constant 0 : i32
      %dma_wait3A_92 = arith.constant 0 : i32
      %dma_wait3A_93 = tpu.memref_slice %arg3[%add3A_12, %dma_wait3A_91, %dma_wait3A_92] : memref<2560x2x128xi32, #tpu.memory_space<hbm>> -> memref<1x2x128xi32, #tpu.memory_space<hbm>>
      %dma_wait3A_94 = tpu.memref_squeeze %dma_wait3A_93 : memref<1x2x128xi32, #tpu.memory_space<hbm>> -> memref<2x128xi32, #tpu.memory_space<hbm>>
      tpu.wait_dma2 semaphore(%run_scoped3A : memref<!tpu.dma_semaphore, #tpu.memory_space<semaphore_mem>>) src(%dma_wait3A_94 : memref<2x128xi32, #tpu.memory_space<hbm>>) dst(%arg7 : memref<2x128xi32, #tpu.memory_space<vmem>>)
      tpu.yield
    }) : () -> ()
    %dma_start3A_13 = arith.constant 0 : i32
    %dma_start3A_14 = arith.constant 0 : i32
    %dma_start3A_15 = tpu.memref_slice %arg7[%dma_start3A_13, %dma_start3A_14] : memref<2x128xi32, #tpu.memory_space<vmem>> -> memref<1x128xi32, #tpu.memory_space<vmem>>
    %dma_start3A_16 = tpu.memref_squeeze %dma_start3A_15 : memref<1x128xi32, #tpu.memory_space<vmem>> -> memref<128xi32, #tpu.memory_space<vmem>>
    %dma_start3A_17 = arith.constant 0 : i32
    %dma_start3A_18 = arith.constant 0 : i32
    %dma_start3A_19 = tpu.memref_slice %arg4[%dma_start3A_17, %dma_start3A_18] : memref<170000x128xf32, #tpu.memory_space<hbm>> -> memref<170000x128xf32, #tpu.memory_space<hbm>>
    tpu.enqueue_indirect_dma source(%dma_start3A_19 : memref<170000x128xf32, #tpu.memory_space<hbm>>) target(%arg10 : memref<128x128xf32, #tpu.memory_space<vmem>>) offsets(%dma_start3A_16 : memref<128xi32, #tpu.memory_space<vmem>>) semaphore(%arg14 : memref<!tpu.dma_semaphore, #tpu.memory_space<semaphore_mem>>)
    %scan3A = arith.constant 0 : i32
    %scan3A_20 = arith.constant 0 : i32
    %scan3A_21 = arith.constant 26 : i32
    %scan3A_22 = arith.addi %scan3A_20, %scan3A_21 : i32
    %scan3A_23 = arith.constant 1 : i32
    scf.for %scan3A_79 = %scan3A_20 to %scan3A_22 step %scan3A_23  : i32 {
      %mul3A_80 = arith.constant 3 : i32
      %mul3A_81 = arith.muli %scan3A_79, %mul3A_80 : i32
      %add3A_82 = arith.constant 0 : i32
      %add3A_83 = arith.addi %mul3A_81, %add3A_82 : i32
      %dma_wait3A_84 = arith.constant 0 : i32
      %dma_wait3A_85 = arith.constant 0 : i32
      %dma_wait3A_86 = tpu.memref_slice %arg6[%dma_wait3A_84, %dma_wait3A_85] : memref<2x128xi32, #tpu.memory_space<vmem>> -> memref<1x128xi32, #tpu.memory_space<vmem>>
      %dma_wait3A_87 = tpu.memref_squeeze %dma_wait3A_86 : memref<1x128xi32, #tpu.memory_space<vmem>> -> memref<128xi32, #tpu.memory_space<vmem>>
      %dma_wait3A_88 = arith.constant 0 : i32
      %dma_wait3A_89 = arith.constant 0 : i32
      %dma_wait3A_90 = tpu.memref_slice %arg4[%dma_wait3A_88, %dma_wait3A_89] : memref<170000x128xf32, #tpu.memory_space<hbm>> -> memref<170000x128xf32, #tpu.memory_space<hbm>>
      tpu.wait_indirect_dma semaphore(%arg13 : memref<!tpu.dma_semaphore, #tpu.memory_space<semaphore_mem>>) src(%dma_wait3A_90 : memref<170000x128xf32, #tpu.memory_space<hbm>>) dst(%arg9 : memref<128x128xf32, #tpu.memory_space<vmem>>)
      %dma_start3A_91 = arith.constant 1 : i32
      %dma_start3A_92 = arith.constant 0 : i32
      %dma_start3A_93 = tpu.memref_slice %arg6[%dma_start3A_91, %dma_start3A_92] : memref<2x128xi32, #tpu.memory_space<vmem>> -> memref<1x128xi32, #tpu.memory_space<vmem>>
      %dma_start3A_94 = tpu.memref_squeeze %dma_start3A_93 : memref<1x128xi32, #tpu.memory_space<vmem>> -> memref<128xi32, #tpu.memory_space<vmem>>
      %dma_start3A_95 = arith.constant 0 : i32
      %dma_start3A_96 = arith.constant 0 : i32
      %dma_start3A_97 = tpu.memref_slice %arg12[%dma_start3A_95, %dma_start3A_96] : memref<10000x128xf32, #tpu.memory_space<vmem_shared>> -> memref<10000x128xf32, #tpu.memory_space<vmem_shared>>
      tpu.enqueue_indirect_dma source(%arg9 : memref<128x128xf32, #tpu.memory_space<vmem>>) target(%dma_start3A_97 : memref<10000x128xf32, #tpu.memory_space<vmem_shared>>) offsets(%dma_start3A_94 : memref<128xi32, #tpu.memory_space<vmem>>) semaphore(%arg16 : memref<!tpu.dma_semaphore, #tpu.memory_space<semaphore_mem>>) {add = true}
      %ge3A = arith.constant 1 : i32
      %ge3A_98 = arith.cmpi sge, %add3A_83, %ge3A : i32
      %convert_element_type3A_99 = arith.extui %ge3A_98 : i1 to i32
      %cond3A_100 = arith.constant 0 : i32
      %cond3A_101 = arith.cmpi ne, %convert_element_type3A_99, %cond3A_100 : i32
      scf.if %cond3A_101 {
        %dma_wait3A_178 = arith.constant 1 : i32
        %dma_wait3A_179 = arith.constant 0 : i32
        %dma_wait3A_180 = tpu.memref_slice %arg8[%dma_wait3A_178, %dma_wait3A_179] : memref<2x128xi32, #tpu.memory_space<vmem>> -> memref<1x128xi32, #tpu.memory_space<vmem>>
        %dma_wait3A_181 = tpu.memref_squeeze %dma_wait3A_180 : memref<1x128xi32, #tpu.memory_space<vmem>> -> memref<128xi32, #tpu.memory_space<vmem>>
        %dma_wait3A_182 = arith.constant 0 : i32
        %dma_wait3A_183 = arith.constant 0 : i32
        %dma_wait3A_184 = tpu.memref_slice %arg12[%dma_wait3A_182, %dma_wait3A_183] : memref<10000x128xf32, #tpu.memory_space<vmem_shared>> -> memref<10000x128xf32, #tpu.memory_space<vmem_shared>>
        tpu.wait_indirect_dma semaphore(%arg18 : memref<!tpu.dma_semaphore, #tpu.memory_space<semaphore_mem>>) src(%arg11 : memref<128x128xf32, #tpu.memory_space<vmem>>) dst(%dma_wait3A_184 : memref<10000x128xf32, #tpu.memory_space<vmem_shared>>)
      } else {
      }
      %add3A_102 = arith.addi %mul3A_2, %add3A_83 : i32
      %add3A_103 = arith.constant 2 : i32
      %add3A_104 = arith.addi %add3A_102, %add3A_103 : i32
      "tpu.region"() ({
        %run_scoped3A = tpu.sem_alloc : memref<!tpu.dma_semaphore, #tpu.memory_space<semaphore_mem>>
        %dma_start3A_178 = arith.constant 0 : i32
        %dma_start3A_179 = arith.constant 0 : i32
        %dma_start3A_180 = tpu.memref_slice %arg3[%add3A_104, %dma_start3A_178, %dma_start3A_179] : memref<2560x2x128xi32, #tpu.memory_space<hbm>> -> memref<1x2x128xi32, #tpu.memory_space<hbm>>
        %dma_start3A_181 = tpu.memref_squeeze %dma_start3A_180 : memref<1x2x128xi32, #tpu.memory_space<hbm>> -> memref<2x128xi32, #tpu.memory_space<hbm>>
        %dma_start3A_182 = arith.constant 0 : i32
        %dma_start3A_183 = arith.constant 0 : i32
        %dma_start3A_184 = tpu.memref_slice %arg3[%add3A_104, %dma_start3A_182, %dma_start3A_183] : memref<2560x2x128xi32, #tpu.memory_space<hbm>> -> memref<1x2x128xi32, #tpu.memory_space<hbm>>
        %dma_start3A_185 = tpu.memref_squeeze %dma_start3A_184 : memref<1x2x128xi32, #tpu.memory_space<hbm>> -> memref<2x128xi32, #tpu.memory_space<hbm>>
        tpu.enqueue_dma source(%dma_start3A_185 : memref<2x128xi32, #tpu.memory_space<hbm>>) target(%arg8 : memref<2x128xi32, #tpu.memory_space<vmem>>) target_semaphore(%run_scoped3A : memref<!tpu.dma_semaphore, #tpu.memory_space<semaphore_mem>>)
        %dma_wait3A_186 = arith.constant 0 : i32
        %dma_wait3A_187 = arith.constant 0 : i32
        %dma_wait3A_188 = tpu.memref_slice %arg3[%add3A_104, %dma_wait3A_186, %dma_wait3A_187] : memref<2560x2x128xi32, #tpu.memory_space<hbm>> -> memref<1x2x128xi32, #tpu.memory_space<hbm>>
        %dma_wait3A_189 = tpu.memref_squeeze %dma_wait3A_188 : memref<1x2x128xi32, #tpu.memory_space<hbm>> -> memref<2x128xi32, #tpu.memory_space<hbm>>
        %dma_wait3A_190 = arith.constant 0 : i32
        %dma_wait3A_191 = arith.constant 0 : i32
        %dma_wait3A_192 = tpu.memref_slice %arg3[%add3A_104, %dma_wait3A_190, %dma_wait3A_191] : memref<2560x2x128xi32, #tpu.memory_space<hbm>> -> memref<1x2x128xi32, #tpu.memory_space<hbm>>
        %dma_wait3A_193 = tpu.memref_squeeze %dma_wait3A_192 : memref<1x2x128xi32, #tpu.memory_space<hbm>> -> memref<2x128xi32, #tpu.memory_space<hbm>>
        tpu.wait_dma2 semaphore(%run_scoped3A : memref<!tpu.dma_semaphore, #tpu.memory_space<semaphore_mem>>) src(%dma_wait3A_193 : memref<2x128xi32, #tpu.memory_space<hbm>>) dst(%arg8 : memref<2x128xi32, #tpu.memory_space<vmem>>)
        tpu.yield
      }) : () -> ()
      %dma_start3A_105 = arith.constant 0 : i32
      %dma_start3A_106 = arith.constant 0 : i32
      %dma_start3A_107 = tpu.memref_slice %arg8[%dma_start3A_105, %dma_start3A_106] : memref<2x128xi32, #tpu.memory_space<vmem>> -> memref<1x128xi32, #tpu.memory_space<vmem>>
      %dma_start3A_108 = tpu.memref_squeeze %dma_start3A_107 : memref<1x128xi32, #tpu.memory_space<vmem>> -> memref<128xi32, #tpu.memory_space<vmem>>
      %dma_start3A_109 = arith.constant 0 : i32
      %dma_start3A_110 = arith.constant 0 : i32
      %dma_start3A_111 = tpu.memref_slice %arg4[%dma_start3A_109, %dma_start3A_110] : memref<170000x128xf32, #tpu.memory_space<hbm>> -> memref<170000x128xf32, #tpu.memory_space<hbm>>
      tpu.enqueue_indirect_dma source(%dma_start3A_111 : memref<170000x128xf32, #tpu.memory_space<hbm>>) target(%arg11 : memref<128x128xf32, #tpu.memory_space<vmem>>) offsets(%dma_start3A_108 : memref<128xi32, #tpu.memory_space<vmem>>) semaphore(%arg15 : memref<!tpu.dma_semaphore, #tpu.memory_space<semaphore_mem>>)
      %mul3A_112 = arith.constant 3 : i32
      %mul3A_113 = arith.muli %scan3A_79, %mul3A_112 : i32
      %add3A_114 = arith.constant 1 : i32
      %add3A_115 = arith.addi %mul3A_113, %add3A_114 : i32
      %dma_wait3A_116 = arith.constant 0 : i32
      %dma_wait3A_117 = arith.constant 0 : i32
      %dma_wait3A_118 = tpu.memref_slice %arg7[%dma_wait3A_116, %dma_wait3A_117] : memref<2x128xi32, #tpu.memory_space<vmem>> -> memref<1x128xi32, #tpu.memory_space<vmem>>
      %dma_wait3A_119 = tpu.memref_squeeze %dma_wait3A_118 : memref<1x128xi32, #tpu.memory_space<vmem>> -> memref<128xi32, #tpu.memory_space<vmem>>
      %dma_wait3A_120 = arith.constant 0 : i32
      %dma_wait3A_121 = arith.constant 0 : i32
      %dma_wait3A_122 = tpu.memref_slice %arg4[%dma_wait3A_120, %dma_wait3A_121] : memref<170000x128xf32, #tpu.memory_space<hbm>> -> memref<170000x128xf32, #tpu.memory_space<hbm>>
      tpu.wait_indirect_dma semaphore(%arg14 : memref<!tpu.dma_semaphore, #tpu.memory_space<semaphore_mem>>) src(%dma_wait3A_122 : memref<170000x128xf32, #tpu.memory_space<hbm>>) dst(%arg10 : memref<128x128xf32, #tpu.memory_space<vmem>>)
      %dma_start3A_123 = arith.constant 1 : i32
      %dma_start3A_124 = arith.constant 0 : i32
      %dma_start3A_125 = tpu.memref_slice %arg7[%dma_start3A_123, %dma_start3A_124] : memref<2x128xi32, #tpu.memory_space<vmem>> -> memref<1x128xi32, #tpu.memory_space<vmem>>
      %dma_start3A_126 = tpu.memref_squeeze %dma_start3A_125 : memref<1x128xi32, #tpu.memory_space<vmem>> -> memref<128xi32, #tpu.memory_space<vmem>>
      %dma_start3A_127 = arith.constant 0 : i32
      %dma_start3A_128 = arith.constant 0 : i32
      %dma_start3A_129 = tpu.memref_slice %arg12[%dma_start3A_127, %dma_start3A_128] : memref<10000x128xf32, #tpu.memory_space<vmem_shared>> -> memref<10000x128xf32, #tpu.memory_space<vmem_shared>>
      tpu.enqueue_indirect_dma source(%arg10 : memref<128x128xf32, #tpu.memory_space<vmem>>) target(%dma_start3A_129 : memref<10000x128xf32, #tpu.memory_space<vmem_shared>>) offsets(%dma_start3A_126 : memref<128xi32, #tpu.memory_space<vmem>>) semaphore(%arg17 : memref<!tpu.dma_semaphore, #tpu.memory_space<semaphore_mem>>) {add = true}
      %ge3A_130 = arith.constant 1 : i32
      %ge3A_131 = arith.cmpi sge, %add3A_115, %ge3A_130 : i32
      %convert_element_type3A_132 = arith.extui %ge3A_131 : i1 to i32
      %cond3A_133 = arith.constant 0 : i32
      %cond3A_134 = arith.cmpi ne, %convert_element_type3A_132, %cond3A_133 : i32
      scf.if %cond3A_134 {
        %dma_wait3A_178 = arith.constant 1 : i32
        %dma_wait3A_179 = arith.constant 0 : i32
        %dma_wait3A_180 = tpu.memref_slice %arg6[%dma_wait3A_178, %dma_wait3A_179] : memref<2x128xi32, #tpu.memory_space<vmem>> -> memref<1x128xi32, #tpu.memory_space<vmem>>
        %dma_wait3A_181 = tpu.memref_squeeze %dma_wait3A_180 : memref<1x128xi32, #tpu.memory_space<vmem>> -> memref<128xi32, #tpu.memory_space<vmem>>
        %dma_wait3A_182 = arith.constant 0 : i32
        %dma_wait3A_183 = arith.constant 0 : i32
        %dma_wait3A_184 = tpu.memref_slice %arg12[%dma_wait3A_182, %dma_wait3A_183] : memref<10000x128xf32, #tpu.memory_space<vmem_shared>> -> memref<10000x128xf32, #tpu.memory_space<vmem_shared>>
        tpu.wait_indirect_dma semaphore(%arg16 : memref<!tpu.dma_semaphore, #tpu.memory_space<semaphore_mem>>) src(%arg9 : memref<128x128xf32, #tpu.memory_space<vmem>>) dst(%dma_wait3A_184 : memref<10000x128xf32, #tpu.memory_space<vmem_shared>>)
      } else {
      }
      %add3A_135 = arith.addi %mul3A_2, %add3A_115 : i32
      %add3A_136 = arith.constant 2 : i32
      %add3A_137 = arith.addi %add3A_135, %add3A_136 : i32
      "tpu.region"() ({
        %run_scoped3A = tpu.sem_alloc : memref<!tpu.dma_semaphore, #tpu.memory_space<semaphore_mem>>
        %dma_start3A_178 = arith.constant 0 : i32
        %dma_start3A_179 = arith.constant 0 : i32
        %dma_start3A_180 = tpu.memref_slice %arg3[%add3A_137, %dma_start3A_178, %dma_start3A_179] : memref<2560x2x128xi32, #tpu.memory_space<hbm>> -> memref<1x2x128xi32, #tpu.memory_space<hbm>>
        %dma_start3A_181 = tpu.memref_squeeze %dma_start3A_180 : memref<1x2x128xi32, #tpu.memory_space<hbm>> -> memref<2x128xi32, #tpu.memory_space<hbm>>
        %dma_start3A_182 = arith.constant 0 : i32
        %dma_start3A_183 = arith.constant 0 : i32
        %dma_start3A_184 = tpu.memref_slice %arg3[%add3A_137, %dma_start3A_182, %dma_start3A_183] : memref<2560x2x128xi32, #tpu.memory_space<hbm>> -> memref<1x2x128xi32, #tpu.memory_space<hbm>>
        %dma_start3A_185 = tpu.memref_squeeze %dma_start3A_184 : memref<1x2x128xi32, #tpu.memory_space<hbm>> -> memref<2x128xi32, #tpu.memory_space<hbm>>
        tpu.enqueue_dma source(%dma_start3A_185 : memref<2x128xi32, #tpu.memory_space<hbm>>) target(%arg6 : memref<2x128xi32, #tpu.memory_space<vmem>>) target_semaphore(%run_scoped3A : memref<!tpu.dma_semaphore, #tpu.memory_space<semaphore_mem>>)
        %dma_wait3A_186 = arith.constant 0 : i32
        %dma_wait3A_187 = arith.constant 0 : i32
        %dma_wait3A_188 = tpu.memref_slice %arg3[%add3A_137, %dma_wait3A_186, %dma_wait3A_187] : memref<2560x2x128xi32, #tpu.memory_space<hbm>> -> memref<1x2x128xi32, #tpu.memory_space<hbm>>
        %dma_wait3A_189 = tpu.memref_squeeze %dma_wait3A_188 : memref<1x2x128xi32, #tpu.memory_space<hbm>> -> memref<2x128xi32, #tpu.memory_space<hbm>>
        %dma_wait3A_190 = arith.constant 0 : i32
        %dma_wait3A_191 = arith.constant 0 : i32
        %dma_wait3A_192 = tpu.memref_slice %arg3[%add3A_137, %dma_wait3A_190, %dma_wait3A_191] : memref<2560x2x128xi32, #tpu.memory_space<hbm>> -> memref<1x2x128xi32, #tpu.memory_space<hbm>>
        %dma_wait3A_193 = tpu.memref_squeeze %dma_wait3A_192 : memref<1x2x128xi32, #tpu.memory_space<hbm>> -> memref<2x128xi32, #tpu.memory_space<hbm>>
        tpu.wait_dma2 semaphore(%run_scoped3A : memref<!tpu.dma_semaphore, #tpu.memory_space<semaphore_mem>>) src(%dma_wait3A_193 : memref<2x128xi32, #tpu.memory_space<hbm>>) dst(%arg6 : memref<2x128xi32, #tpu.memory_space<vmem>>)
        tpu.yield
      }) : () -> ()
      %dma_start3A_138 = arith.constant 0 : i32
      %dma_start3A_139 = arith.constant 0 : i32
      %dma_start3A_140 = tpu.memref_slice %arg6[%dma_start3A_138, %dma_start3A_139] : memref<2x128xi32, #tpu.memory_space<vmem>> -> memref<1x128xi32, #tpu.memory_space<vmem>>
      %dma_start3A_141 = tpu.memref_squeeze %dma_start3A_140 : memref<1x128xi32, #tpu.memory_space<vmem>> -> memref<128xi32, #tpu.memory_space<vmem>>
      %dma_start3A_142 = arith.constant 0 : i32
      %dma_start3A_143 = arith.constant 0 : i32
      %dma_start3A_144 = tpu.memref_slice %arg4[%dma_start3A_142, %dma_start3A_143] : memref<170000x128xf32, #tpu.memory_space<hbm>> -> memref<170000x128xf32, #tpu.memory_space<hbm>>
      tpu.enqueue_indirect_dma source(%dma_start3A_144 : memref<170000x128xf32, #tpu.memory_space<hbm>>) target(%arg9 : memref<128x128xf32, #tpu.memory_space<vmem>>) offsets(%dma_start3A_141 : memref<128xi32, #tpu.memory_space<vmem>>) semaphore(%arg13 : memref<!tpu.dma_semaphore, #tpu.memory_space<semaphore_mem>>)
      %mul3A_145 = arith.constant 3 : i32
      %mul3A_146 = arith.muli %scan3A_79, %mul3A_145 : i32
      %add3A_147 = arith.constant 2 : i32
      %add3A_148 = arith.addi %mul3A_146, %add3A_147 : i32
      %dma_wait3A_149 = arith.constant 0 : i32
      %dma_wait3A_150 = arith.constant 0 : i32
      %dma_wait3A_151 = tpu.memref_slice %arg8[%dma_wait3A_149, %dma_wait3A_150] : memref<2x128xi32, #tpu.memory_space<vmem>> -> memref<1x128xi32, #tpu.memory_space<vmem>>
      %dma_wait3A_152 = tpu.memref_squeeze %dma_wait3A_151 : memref<1x128xi32, #tpu.memory_space<vmem>> -> memref<128xi32, #tpu.memory_space<vmem>>
      %dma_wait3A_153 = arith.constant 0 : i32
      %dma_wait3A_154 = arith.constant 0 : i32
      %dma_wait3A_155 = tpu.memref_slice %arg4[%dma_wait3A_153, %dma_wait3A_154] : memref<170000x128xf32, #tpu.memory_space<hbm>> -> memref<170000x128xf32, #tpu.memory_space<hbm>>
      tpu.wait_indirect_dma semaphore(%arg15 : memref<!tpu.dma_semaphore, #tpu.memory_space<semaphore_mem>>) src(%dma_wait3A_155 : memref<170000x128xf32, #tpu.memory_space<hbm>>) dst(%arg11 : memref<128x128xf32, #tpu.memory_space<vmem>>)
      %dma_start3A_156 = arith.constant 1 : i32
      %dma_start3A_157 = arith.constant 0 : i32
      %dma_start3A_158 = tpu.memref_slice %arg8[%dma_start3A_156, %dma_start3A_157] : memref<2x128xi32, #tpu.memory_space<vmem>> -> memref<1x128xi32, #tpu.memory_space<vmem>>
      %dma_start3A_159 = tpu.memref_squeeze %dma_start3A_158 : memref<1x128xi32, #tpu.memory_space<vmem>> -> memref<128xi32, #tpu.memory_space<vmem>>
      %dma_start3A_160 = arith.constant 0 : i32
      %dma_start3A_161 = arith.constant 0 : i32
      %dma_start3A_162 = tpu.memref_slice %arg12[%dma_start3A_160, %dma_start3A_161] : memref<10000x128xf32, #tpu.memory_space<vmem_shared>> -> memref<10000x128xf32, #tpu.memory_space<vmem_shared>>
      tpu.enqueue_indirect_dma source(%arg11 : memref<128x128xf32, #tpu.memory_space<vmem>>) target(%dma_start3A_162 : memref<10000x128xf32, #tpu.memory_space<vmem_shared>>) offsets(%dma_start3A_159 : memref<128xi32, #tpu.memory_space<vmem>>) semaphore(%arg18 : memref<!tpu.dma_semaphore, #tpu.memory_space<semaphore_mem>>) {add = true}
      %ge3A_163 = arith.constant 1 : i32
      %ge3A_164 = arith.cmpi sge, %add3A_148, %ge3A_163 : i32
      %convert_element_type3A_165 = arith.extui %ge3A_164 : i1 to i32
      %cond3A_166 = arith.constant 0 : i32
      %cond3A_167 = arith.cmpi ne, %convert_element_type3A_165, %cond3A_166 : i32
      scf.if %cond3A_167 {
        %dma_wait3A_178 = arith.constant 1 : i32
        %dma_wait3A_179 = arith.constant 0 : i32
        %dma_wait3A_180 = tpu.memref_slice %arg7[%dma_wait3A_178, %dma_wait3A_179] : memref<2x128xi32, #tpu.memory_space<vmem>> -> memref<1x128xi32, #tpu.memory_space<vmem>>
        %dma_wait3A_181 = tpu.memref_squeeze %dma_wait3A_180 : memref<1x128xi32, #tpu.memory_space<vmem>> -> memref<128xi32, #tpu.memory_space<vmem>>
        %dma_wait3A_182 = arith.constant 0 : i32
        %dma_wait3A_183 = arith.constant 0 : i32
        %dma_wait3A_184 = tpu.memref_slice %arg12[%dma_wait3A_182, %dma_wait3A_183] : memref<10000x128xf32, #tpu.memory_space<vmem_shared>> -> memref<10000x128xf32, #tpu.memory_space<vmem_shared>>
        tpu.wait_indirect_dma semaphore(%arg17 : memref<!tpu.dma_semaphore, #tpu.memory_space<semaphore_mem>>) src(%arg10 : memref<128x128xf32, #tpu.memory_space<vmem>>) dst(%dma_wait3A_184 : memref<10000x128xf32, #tpu.memory_space<vmem_shared>>)
      } else {
      }
      %add3A_168 = arith.addi %mul3A_2, %add3A_148 : i32
      %add3A_169 = arith.constant 2 : i32
      %add3A_170 = arith.addi %add3A_168, %add3A_169 : i32
      "tpu.region"() ({
        %run_scoped3A = tpu.sem_alloc : memref<!tpu.dma_semaphore, #tpu.memory_space<semaphore_mem>>
        %dma_start3A_178 = arith.constant 0 : i32
        %dma_start3A_179 = arith.constant 0 : i32
        %dma_start3A_180 = tpu.memref_slice %arg3[%add3A_170, %dma_start3A_178, %dma_start3A_179] : memref<2560x2x128xi32, #tpu.memory_space<hbm>> -> memref<1x2x128xi32, #tpu.memory_space<hbm>>
        %dma_start3A_181 = tpu.memref_squeeze %dma_start3A_180 : memref<1x2x128xi32, #tpu.memory_space<hbm>> -> memref<2x128xi32, #tpu.memory_space<hbm>>
        %dma_start3A_182 = arith.constant 0 : i32
        %dma_start3A_183 = arith.constant 0 : i32
        %dma_start3A_184 = tpu.memref_slice %arg3[%add3A_170, %dma_start3A_182, %dma_start3A_183] : memref<2560x2x128xi32, #tpu.memory_space<hbm>> -> memref<1x2x128xi32, #tpu.memory_space<hbm>>
        %dma_start3A_185 = tpu.memref_squeeze %dma_start3A_184 : memref<1x2x128xi32, #tpu.memory_space<hbm>> -> memref<2x128xi32, #tpu.memory_space<hbm>>
        tpu.enqueue_dma source(%dma_start3A_185 : memref<2x128xi32, #tpu.memory_space<hbm>>) target(%arg7 : memref<2x128xi32, #tpu.memory_space<vmem>>) target_semaphore(%run_scoped3A : memref<!tpu.dma_semaphore, #tpu.memory_space<semaphore_mem>>)
        %dma_wait3A_186 = arith.constant 0 : i32
        %dma_wait3A_187 = arith.constant 0 : i32
        %dma_wait3A_188 = tpu.memref_slice %arg3[%add3A_170, %dma_wait3A_186, %dma_wait3A_187] : memref<2560x2x128xi32, #tpu.memory_space<hbm>> -> memref<1x2x128xi32, #tpu.memory_space<hbm>>
        %dma_wait3A_189 = tpu.memref_squeeze %dma_wait3A_188 : memref<1x2x128xi32, #tpu.memory_space<hbm>> -> memref<2x128xi32, #tpu.memory_space<hbm>>
        %dma_wait3A_190 = arith.constant 0 : i32
        %dma_wait3A_191 = arith.constant 0 : i32
        %dma_wait3A_192 = tpu.memref_slice %arg3[%add3A_170, %dma_wait3A_190, %dma_wait3A_191] : memref<2560x2x128xi32, #tpu.memory_space<hbm>> -> memref<1x2x128xi32, #tpu.memory_space<hbm>>
        %dma_wait3A_193 = tpu.memref_squeeze %dma_wait3A_192 : memref<1x2x128xi32, #tpu.memory_space<hbm>> -> memref<2x128xi32, #tpu.memory_space<hbm>>
        tpu.wait_dma2 semaphore(%run_scoped3A : memref<!tpu.dma_semaphore, #tpu.memory_space<semaphore_mem>>) src(%dma_wait3A_193 : memref<2x128xi32, #tpu.memory_space<hbm>>) dst(%arg7 : memref<2x128xi32, #tpu.memory_space<vmem>>)
        tpu.yield
      }) : () -> ()
      %dma_start3A_171 = arith.constant 0 : i32
      %dma_start3A_172 = arith.constant 0 : i32
      %dma_start3A_173 = tpu.memref_slice %arg7[%dma_start3A_171, %dma_start3A_172] : memref<2x128xi32, #tpu.memory_space<vmem>> -> memref<1x128xi32, #tpu.memory_space<vmem>>
      %dma_start3A_174 = tpu.memref_squeeze %dma_start3A_173 : memref<1x128xi32, #tpu.memory_space<vmem>> -> memref<128xi32, #tpu.memory_space<vmem>>
      %dma_start3A_175 = arith.constant 0 : i32
      %dma_start3A_176 = arith.constant 0 : i32
      %dma_start3A_177 = tpu.memref_slice %arg4[%dma_start3A_175, %dma_start3A_176] : memref<170000x128xf32, #tpu.memory_space<hbm>> -> memref<170000x128xf32, #tpu.memory_space<hbm>>
      tpu.enqueue_indirect_dma source(%dma_start3A_177 : memref<170000x128xf32, #tpu.memory_space<hbm>>) target(%arg10 : memref<128x128xf32, #tpu.memory_space<vmem>>) offsets(%dma_start3A_174 : memref<128xi32, #tpu.memory_space<vmem>>) semaphore(%arg14 : memref<!tpu.dma_semaphore, #tpu.memory_space<semaphore_mem>>)
    }
    %scan3A_24 = arith.constant 26 : i32
    %dma_wait3A = arith.constant 0 : i32
    %dma_wait3A_25 = arith.constant 0 : i32
    %dma_wait3A_26 = tpu.memref_slice %arg6[%dma_wait3A, %dma_wait3A_25] : memref<2x128xi32, #tpu.memory_space<vmem>> -> memref<1x128xi32, #tpu.memory_space<vmem>>
    %dma_wait3A_27 = tpu.memref_squeeze %dma_wait3A_26 : memref<1x128xi32, #tpu.memory_space<vmem>> -> memref<128xi32, #tpu.memory_space<vmem>>
    %dma_wait3A_28 = arith.constant 0 : i32
    %dma_wait3A_29 = arith.constant 0 : i32
    %dma_wait3A_30 = tpu.memref_slice %arg4[%dma_wait3A_28, %dma_wait3A_29] : memref<170000x128xf32, #tpu.memory_space<hbm>> -> memref<170000x128xf32, #tpu.memory_space<hbm>>
    tpu.wait_indirect_dma semaphore(%arg13 : memref<!tpu.dma_semaphore, #tpu.memory_space<semaphore_mem>>) src(%dma_wait3A_30 : memref<170000x128xf32, #tpu.memory_space<hbm>>) dst(%arg9 : memref<128x128xf32, #tpu.memory_space<vmem>>)
    %dma_start3A_31 = arith.constant 1 : i32
    %dma_start3A_32 = arith.constant 0 : i32
    %dma_start3A_33 = tpu.memref_slice %arg6[%dma_start3A_31, %dma_start3A_32] : memref<2x128xi32, #tpu.memory_space<vmem>> -> memref<1x128xi32, #tpu.memory_space<vmem>>
    %dma_start3A_34 = tpu.memref_squeeze %dma_start3A_33 : memref<1x128xi32, #tpu.memory_space<vmem>> -> memref<128xi32, #tpu.memory_space<vmem>>
    %dma_start3A_35 = arith.constant 0 : i32
    %dma_start3A_36 = arith.constant 0 : i32
    %dma_start3A_37 = tpu.memref_slice %arg12[%dma_start3A_35, %dma_start3A_36] : memref<10000x128xf32, #tpu.memory_space<vmem_shared>> -> memref<10000x128xf32, #tpu.memory_space<vmem_shared>>
    tpu.enqueue_indirect_dma source(%arg9 : memref<128x128xf32, #tpu.memory_space<vmem>>) target(%dma_start3A_37 : memref<10000x128xf32, #tpu.memory_space<vmem_shared>>) offsets(%dma_start3A_34 : memref<128xi32, #tpu.memory_space<vmem>>) semaphore(%arg16 : memref<!tpu.dma_semaphore, #tpu.memory_space<semaphore_mem>>) {add = true}
    %dma_wait3A_38 = arith.constant 0 : i32
    %dma_wait3A_39 = arith.constant 0 : i32
    %dma_wait3A_40 = tpu.memref_slice %arg7[%dma_wait3A_38, %dma_wait3A_39] : memref<2x128xi32, #tpu.memory_space<vmem>> -> memref<1x128xi32, #tpu.memory_space<vmem>>
    %dma_wait3A_41 = tpu.memref_squeeze %dma_wait3A_40 : memref<1x128xi32, #tpu.memory_space<vmem>> -> memref<128xi32, #tpu.memory_space<vmem>>
    %dma_wait3A_42 = arith.constant 0 : i32
    %dma_wait3A_43 = arith.constant 0 : i32
    %dma_wait3A_44 = tpu.memref_slice %arg4[%dma_wait3A_42, %dma_wait3A_43] : memref<170000x128xf32, #tpu.memory_space<hbm>> -> memref<170000x128xf32, #tpu.memory_space<hbm>>
    tpu.wait_indirect_dma semaphore(%arg14 : memref<!tpu.dma_semaphore, #tpu.memory_space<semaphore_mem>>) src(%dma_wait3A_44 : memref<170000x128xf32, #tpu.memory_space<hbm>>) dst(%arg10 : memref<128x128xf32, #tpu.memory_space<vmem>>)
    %dma_start3A_45 = arith.constant 1 : i32
    %dma_start3A_46 = arith.constant 0 : i32
    %dma_start3A_47 = tpu.memref_slice %arg7[%dma_start3A_45, %dma_start3A_46] : memref<2x128xi32, #tpu.memory_space<vmem>> -> memref<1x128xi32, #tpu.memory_space<vmem>>
    %dma_start3A_48 = tpu.memref_squeeze %dma_start3A_47 : memref<1x128xi32, #tpu.memory_space<vmem>> -> memref<128xi32, #tpu.memory_space<vmem>>
    %dma_start3A_49 = arith.constant 0 : i32
    %dma_start3A_50 = arith.constant 0 : i32
    %dma_start3A_51 = tpu.memref_slice %arg12[%dma_start3A_49, %dma_start3A_50] : memref<10000x128xf32, #tpu.memory_space<vmem_shared>> -> memref<10000x128xf32, #tpu.memory_space<vmem_shared>>
    tpu.enqueue_indirect_dma source(%arg10 : memref<128x128xf32, #tpu.memory_space<vmem>>) target(%dma_start3A_51 : memref<10000x128xf32, #tpu.memory_space<vmem_shared>>) offsets(%dma_start3A_48 : memref<128xi32, #tpu.memory_space<vmem>>) semaphore(%arg17 : memref<!tpu.dma_semaphore, #tpu.memory_space<semaphore_mem>>) {add = true}
    %dma_wait3A_52 = arith.constant 1 : i32
    %dma_wait3A_53 = arith.constant 0 : i32
    %dma_wait3A_54 = tpu.memref_slice %arg8[%dma_wait3A_52, %dma_wait3A_53] : memref<2x128xi32, #tpu.memory_space<vmem>> -> memref<1x128xi32, #tpu.memory_space<vmem>>
    %dma_wait3A_55 = tpu.memref_squeeze %dma_wait3A_54 : memref<1x128xi32, #tpu.memory_space<vmem>> -> memref<128xi32, #tpu.memory_space<vmem>>
    %dma_wait3A_56 = arith.constant 0 : i32
    %dma_wait3A_57 = arith.constant 0 : i32
    %dma_wait3A_58 = tpu.memref_slice %arg12[%dma_wait3A_56, %dma_wait3A_57] : memref<10000x128xf32, #tpu.memory_space<vmem_shared>> -> memref<10000x128xf32, #tpu.memory_space<vmem_shared>>
    tpu.wait_indirect_dma semaphore(%arg18 : memref<!tpu.dma_semaphore, #tpu.memory_space<semaphore_mem>>) src(%arg11 : memref<128x128xf32, #tpu.memory_space<vmem>>) dst(%dma_wait3A_58 : memref<10000x128xf32, #tpu.memory_space<vmem_shared>>)
    %dma_wait3A_59 = arith.constant 1 : i32
    %dma_wait3A_60 = arith.constant 0 : i32
    %dma_wait3A_61 = tpu.memref_slice %arg6[%dma_wait3A_59, %dma_wait3A_60] : memref<2x128xi32, #tpu.memory_space<vmem>> -> memref<1x128xi32, #tpu.memory_space<vmem>>
    %dma_wait3A_62 = tpu.memref_squeeze %dma_wait3A_61 : memref<1x128xi32, #tpu.memory_space<vmem>> -> memref<128xi32, #tpu.memory_space<vmem>>
    %dma_wait3A_63 = arith.constant 0 : i32
    %dma_wait3A_64 = arith.constant 0 : i32
    %dma_wait3A_65 = tpu.memref_slice %arg12[%dma_wait3A_63, %dma_wait3A_64] : memref<10000x128xf32, #tpu.memory_space<vmem_shared>> -> memref<10000x128xf32, #tpu.memory_space<vmem_shared>>
    tpu.wait_indirect_dma semaphore(%arg16 : memref<!tpu.dma_semaphore, #tpu.memory_space<semaphore_mem>>) src(%arg9 : memref<128x128xf32, #tpu.memory_space<vmem>>) dst(%dma_wait3A_65 : memref<10000x128xf32, #tpu.memory_space<vmem_shared>>)
    %dma_wait3A_66 = arith.constant 1 : i32
    %dma_wait3A_67 = arith.constant 0 : i32
    %dma_wait3A_68 = tpu.memref_slice %arg7[%dma_wait3A_66, %dma_wait3A_67] : memref<2x128xi32, #tpu.memory_space<vmem>> -> memref<1x128xi32, #tpu.memory_space<vmem>>
    %dma_wait3A_69 = tpu.memref_squeeze %dma_wait3A_68 : memref<1x128xi32, #tpu.memory_space<vmem>> -> memref<128xi32, #tpu.memory_space<vmem>>
    %dma_wait3A_70 = arith.constant 0 : i32
    %dma_wait3A_71 = arith.constant 0 : i32
    %dma_wait3A_72 = tpu.memref_slice %arg12[%dma_wait3A_70, %dma_wait3A_71] : memref<10000x128xf32, #tpu.memory_space<vmem_shared>> -> memref<10000x128xf32, #tpu.memory_space<vmem_shared>>
    tpu.wait_indirect_dma semaphore(%arg17 : memref<!tpu.dma_semaphore, #tpu.memory_space<semaphore_mem>>) src(%arg10 : memref<128x128xf32, #tpu.memory_space<vmem>>) dst(%dma_wait3A_72 : memref<10000x128xf32, #tpu.memory_space<vmem_shared>>)
    %barrier3A_73 = arith.constant 0 : index
    tpu.barrier barrier_id(%barrier3A_73)
    %lt3A_74 = arith.constant 10 : i32
    %lt3A_75 = arith.cmpi slt, %arg1, %lt3A_74 : i32
    %convert_element_type3A_76 = arith.extui %lt3A_75 : i1 to i32
    %cond3A_77 = arith.constant 0 : i32
    %cond3A_78 = arith.cmpi ne, %convert_element_type3A_76, %cond3A_77 : i32
    scf.if %cond3A_78 {
      %mul3A_79 = arith.constant 1000 : i32
      %mul3A_80 = arith.muli %arg1, %mul3A_79 : i32
      "tpu.region"() ({
        %run_scoped3A = tpu.sem_alloc : memref<!tpu.dma_semaphore, #tpu.memory_space<semaphore_mem>>
        %dma_start3A_81 = arith.constant 0 : i32
        %dma_start3A_82 = tpu.memref_slice %arg5[%arg0, %mul3A_80, %dma_start3A_81] : memref<2x10000x128xf32, #tpu.memory_space<hbm>> -> memref<1x1000x128xf32, #tpu.memory_space<hbm>>
        %dma_start3A_83 = tpu.memref_squeeze %dma_start3A_82 : memref<1x1000x128xf32, #tpu.memory_space<hbm>> -> memref<1000x128xf32, #tpu.memory_space<hbm>>
        %dma_start3A_84 = arith.constant 0 : i32
        %dma_start3A_85 = tpu.memref_slice %arg12[%mul3A_80, %dma_start3A_84] : memref<10000x128xf32, #tpu.memory_space<vmem_shared>> -> memref<1000x128xf32, #tpu.memory_space<vmem_shared>>
        tpu.enqueue_dma source(%dma_start3A_85 : memref<1000x128xf32, #tpu.memory_space<vmem_shared>>) target(%dma_start3A_83 : memref<1000x128xf32, #tpu.memory_space<hbm>>) target_semaphore(%run_scoped3A : memref<!tpu.dma_semaphore, #tpu.memory_space<semaphore_mem>>)
        %dma_wait3A_86 = arith.constant 0 : i32
        %dma_wait3A_87 = tpu.memref_slice %arg5[%arg0, %mul3A_80, %dma_wait3A_86] : memref<2x10000x128xf32, #tpu.memory_space<hbm>> -> memref<1x1000x128xf32, #tpu.memory_space<hbm>>
        %dma_wait3A_88 = tpu.memref_squeeze %dma_wait3A_87 : memref<1x1000x128xf32, #tpu.memory_space<hbm>> -> memref<1000x128xf32, #tpu.memory_space<hbm>>
        %dma_wait3A_89 = arith.constant 0 : i32
        %dma_wait3A_90 = tpu.memref_slice %arg12[%mul3A_80, %dma_wait3A_89] : memref<10000x128xf32, #tpu.memory_space<vmem_shared>> -> memref<1000x128xf32, #tpu.memory_space<vmem_shared>>
        tpu.wait_dma2 semaphore(%run_scoped3A : memref<!tpu.dma_semaphore, #tpu.memory_space<semaphore_mem>>) src(%dma_wait3A_90 : memref<1000x128xf32, #tpu.memory_space<vmem_shared>>) dst(%dma_wait3A_88 : memref<1000x128xf32, #tpu.memory_space<hbm>>)
        tpu.yield
      }) : () -> ()
    } else {
    }
    return
  }
}

module attributes {stable_mosaic.version = 14 : i64} {
  func.func @_k2_body(%arg0: i32, %arg1: i32, %arg2: memref<16x1xf32, #tpu.memory_space<vmem>>, %arg3: memref<10000x2xf32, #tpu.memory_space<vmem>>, %arg4: memref<10000x128xf32, #tpu.memory_space<vmem>>, %arg5: memref<10000x128xf32, #tpu.memory_space<vmem>>) attributes {dimension_semantics = [#tpu.dimension_semantics<arbitrary>, #tpu.dimension_semantics<arbitrary>], iteration_bounds = array<i64: 1, 17>, scalar_prefetch = 0 : i64, scratch_operands = 0 : i64, tpu.core_type = #tpu.core_type<tc>, window_params = [{pipeline_mode = #tpu.pipeline_mode<synchronous>, transform_indices = @transform_0, window_bounds = array<i64: 16, 1>}, {transform_indices = @transform_1, window_bounds = array<i64: 10000, 2>}, {transform_indices = @transform_2, window_bounds = array<i64: 10000, 128>}, {transform_indices = @transform_3, window_bounds = array<i64: 10000, 128>}]} {
    %get3A = arith.constant 0 : index
    %get3A_0 = arith.constant 0 : index
    %get3A_1 = vector.load %arg2[%get3A, %get3A_0] : memref<16x1xf32, #tpu.memory_space<vmem>>, vector<16x1xf32>
    %mul3A = arith.constant 1.000000e+01 : f32
    %mul3A_2 = vector.broadcast %mul3A : f32 to vector<16x1xf32>
    %mul3A_3 = arith.mulf %get3A_1, %mul3A_2 : vector<16x1xf32>
    %ge3A = arith.constant 0.000000e+00 : f32
    %ge3A_4 = vector.broadcast %ge3A : f32 to vector<16x1xf32>
    %ge3A_5 = arith.cmpf oge, %mul3A_3, %ge3A_4 : vector<16x1xf32>
    %mul3A_6 = arith.constant 0.00999999977 : f32
    %mul3A_7 = vector.broadcast %mul3A_6 : f32 to vector<16x1xf32>
    %mul3A_8 = arith.mulf %mul3A_3, %mul3A_7 : vector<16x1xf32>
    %select_n3A = arith.select %ge3A_5, %mul3A_3, %mul3A_8 : vector<16x1xi1>, vector<16x1xf32>
    %iota3A = tpu.iota {dimensions = array<i32: 0>} : vector<16x1xi32>
    %eq3A = vector.broadcast %arg1 : i32 to vector<16x1xi32>
    %eq3A_9 = arith.cmpi eq, %iota3A, %eq3A : vector<16x1xi32>
    %jit3A = arith.constant 0.000000e+00 : f32
    %broadcast_in_dim3A = vector.broadcast %jit3A : f32 to vector<16x1xf32>
    %select_n3A_10 = arith.select %eq3A_9, %select_n3A, %broadcast_in_dim3A : vector<16x1xi1>, vector<16x1xf32>
    %reduce_sum3A = vector.shape_cast %select_n3A_10 : vector<16x1xf32> to vector<1x16x1xf32>
    %reduce_sum3A_11 = arith.constant dense<0.000000e+00> : vector<1xf32>
    %reduce_sum3A_12 = vector.multi_reduction <add>, %reduce_sum3A, %reduce_sum3A_11 [1, 2] : vector<1x16x1xf32> to vector<1xf32>
    %reduce_sum3A_13 = vector.shape_cast %reduce_sum3A_12 : vector<1xf32> to vector<1x1x1xf32>
    %reduce_sum3A_14 = vector.extract %reduce_sum3A_13[0, 0, 0] : f32 from vector<1x1x1xf32>
    %get3A_15 = arith.constant 0 : index
    %get3A_16 = arith.constant 0 : index
    %get3A_17 = vector.load %arg3[%get3A_15, %get3A_16] : memref<10000x2xf32, #tpu.memory_space<vmem>>, vector<10000x1xf32>
    %get3A_18 = arith.constant 0 : index
    %get3A_19 = arith.constant 1 : index
    %get3A_20 = vector.load %arg3[%get3A_18, %get3A_19] : memref<10000x2xf32, #tpu.memory_space<vmem>>, vector<10000x1xf32>
    %add3A = arith.addf %get3A_17, %get3A_20 : vector<10000x1xf32>
    %max3A = arith.constant 1.000000e+00 : f32
    %max3A_21 = vector.broadcast %max3A : f32 to vector<10000x1xf32>
    %max3A_22 = arith.maximumf %add3A, %max3A_21 : vector<10000x1xf32>
    %rsqrt3A = math.rsqrt %max3A_22 : vector<10000x1xf32>
    %get3A_23 = arith.constant 0 : index
    %get3A_24 = arith.constant 0 : index
    %get3A_25 = vector.load %arg4[%get3A_23, %get3A_24] : memref<10000x128xf32, #tpu.memory_space<vmem>>, vector<10000x128xf32>
    %mul3A_26 = vector.broadcast %rsqrt3A : vector<10000x1xf32> to vector<10000x128xf32>
    %mul3A_27 = arith.mulf %get3A_25, %mul3A_26 : vector<10000x128xf32>
    %mul3A_28 = vector.broadcast %reduce_sum3A_14 : f32 to vector<10000x128xf32>
    %mul3A_29 = arith.mulf %mul3A_27, %mul3A_28 : vector<10000x128xf32>
    %swap3A = arith.constant 0 : index
    %swap3A_30 = arith.constant 0 : index
    %swap3A_31 = vector.load %arg5[%swap3A, %swap3A_30] : memref<10000x128xf32, #tpu.memory_space<vmem>>, vector<10000x128xf32>
    tpu.vector_store %arg5[%swap3A, %swap3A_30], %mul3A_29 {strides = array<i32>} : memref<10000x128xf32, #tpu.memory_space<vmem>>, vector<10000x128xf32>,
    return
  }
  func.func @transform_0(%arg0: i32, %arg1: i32) -> (i32, i32) {
    %c0_i32 = arith.constant 0 : i32
    %c0_i32_0 = arith.constant 0 : i32
    %c0_i32_1 = arith.constant 0 : i32
    return %c0_i32, %c0_i32_0 : i32, i32
  }
  func.func @transform_1(%arg0: i32, %arg1: i32) -> (i32, i32) {
    %c0_i32 = arith.constant 0 : i32
    %c0_i32_0 = arith.constant 0 : i32
    return %arg0, %c0_i32 : i32, i32
  }
  func.func @transform_2(%arg0: i32, %arg1: i32) -> (i32, i32) {
    %c0_i32 = arith.constant 0 : i32
    %c0_i32_0 = arith.constant 0 : i32
    return %arg0, %c0_i32 : i32, i32
  }
  func.func @transform_3(%arg0: i32, %arg1: i32) -> (i32, i32) {
    %mul3A = arith.constant 1 : i32
    %mul3A_0 = arith.muli %arg1, %mul3A : i32
    %add3A = arith.addi %mul3A_0, %arg0 : i32
    %c0_i32 = arith.constant 0 : i32
    %c0_i32_1 = arith.constant 0 : i32
    return %add3A, %c0_i32 : i32, i32
  }
}

module attributes {stable_mosaic.version = 14 : i64} {
  func.func @_k4_body(%arg0: i32, %arg1: memref<2x5000x128xf32, #tpu.memory_space<vmem>>, %arg2: memref<5000x2xf32, #tpu.memory_space<vmem>>, %arg3: memref<128x128xf32, #tpu.memory_space<vmem>>, %arg4: memref<1x128xf32, #tpu.memory_space<vmem>>, %arg5: memref<5000x128xf32, #tpu.memory_space<vmem>>) attributes {dimension_semantics = [#tpu.dimension_semantics<arbitrary>], iteration_bounds = array<i64: 2>, scalar_prefetch = 0 : i64, scratch_operands = 0 : i64, tpu.core_type = #tpu.core_type<tc>, window_params = [{transform_indices = @transform_0, window_bounds = array<i64: 2, 5000, 128>}, {transform_indices = @transform_1, window_bounds = array<i64: 5000, 2>}, {pipeline_mode = #tpu.pipeline_mode<synchronous>, transform_indices = @transform_2, window_bounds = array<i64: 128, 128>}, {pipeline_mode = #tpu.pipeline_mode<synchronous>, transform_indices = @transform_3, window_bounds = array<i64: 1, 128>}, {transform_indices = @transform_4, window_bounds = array<i64: 5000, 128>}]} {
    %get3A = arith.constant 0 : index
    %get3A_0 = arith.constant 0 : index
    %get3A_1 = arith.constant 0 : index
    %get3A_2 = vector.load %arg1[%get3A, %get3A_0, %get3A_1] : memref<2x5000x128xf32, #tpu.memory_space<vmem>>, vector<1x5000x128xf32>
    %get3A_3 = vector.shape_cast %get3A_2 : vector<1x5000x128xf32> to vector<5000x128xf32>
    %get3A_4 = arith.constant 1 : index
    %get3A_5 = arith.constant 0 : index
    %get3A_6 = arith.constant 0 : index
    %get3A_7 = vector.load %arg1[%get3A_4, %get3A_5, %get3A_6] : memref<2x5000x128xf32, #tpu.memory_space<vmem>>, vector<1x5000x128xf32>
    %get3A_8 = vector.shape_cast %get3A_7 : vector<1x5000x128xf32> to vector<5000x128xf32>
    %add3A = arith.addf %get3A_3, %get3A_8 : vector<5000x128xf32>
    %get3A_9 = arith.constant 0 : index
    %get3A_10 = arith.constant 0 : index
    %get3A_11 = vector.load %arg2[%get3A_9, %get3A_10] : memref<5000x2xf32, #tpu.memory_space<vmem>>, vector<5000x1xf32>
    %get3A_12 = arith.constant 0 : index
    %get3A_13 = arith.constant 1 : index
    %get3A_14 = vector.load %arg2[%get3A_12, %get3A_13] : memref<5000x2xf32, #tpu.memory_space<vmem>>, vector<5000x1xf32>
    %add3A_15 = arith.addf %get3A_11, %get3A_14 : vector<5000x1xf32>
    %max3A = arith.constant 1.000000e+00 : f32
    %max3A_16 = vector.broadcast %max3A : f32 to vector<5000x1xf32>
    %max3A_17 = arith.maximumf %add3A_15, %max3A_16 : vector<5000x1xf32>
    %rsqrt3A = math.rsqrt %max3A_17 : vector<5000x1xf32>
    %mul3A = vector.broadcast %rsqrt3A : vector<5000x1xf32> to vector<5000x128xf32>
    %mul3A_18 = arith.mulf %add3A, %mul3A : vector<5000x128xf32>
    %get3A_19 = arith.constant 0 : index
    %get3A_20 = arith.constant 0 : index
    %get3A_21 = vector.load %arg3[%get3A_19, %get3A_20] : memref<128x128xf32, #tpu.memory_space<vmem>>, vector<128x128xf32>
    %dot_general3A = arith.constant dense<0.000000e+00> : vector<5000x128xf32>
    %dot_general3A_22 = tpu.matmul %mul3A_18, %get3A_21, %dot_general3A {dimension_numbers = #tpu.dot_dimension_numbers<[1], [0], [0], [1], [0, 0, 1, 1], [], []>, transpose_lhs_hint = false} : vector<5000x128xf32>, vector<128x128xf32>, vector<5000x128xf32> -> vector<5000x128xf32>
    %get3A_23 = arith.constant 0 : index
    %get3A_24 = arith.constant 0 : index
    %get3A_25 = vector.load %arg4[%get3A_23, %get3A_24] : memref<1x128xf32, #tpu.memory_space<vmem>>, vector<1x128xf32>
    %add3A_26 = vector.broadcast %get3A_25 : vector<1x128xf32> to vector<5000x128xf32>
    %add3A_27 = arith.addf %dot_general3A_22, %add3A_26 : vector<5000x128xf32>
    %swap3A = arith.constant 0 : index
    %swap3A_28 = arith.constant 0 : index
    %swap3A_29 = vector.load %arg5[%swap3A, %swap3A_28] : memref<5000x128xf32, #tpu.memory_space<vmem>>, vector<5000x128xf32>
    tpu.vector_store %arg5[%swap3A, %swap3A_28], %add3A_27 {strides = array<i32>} : memref<5000x128xf32, #tpu.memory_space<vmem>>, vector<5000x128xf32>,
    return
  }
  func.func @transform_0(%arg0: i32) -> (i32, i32, i32) {
    %c0_i32 = arith.constant 0 : i32
    %c0_i32_0 = arith.constant 0 : i32
    %c0_i32_1 = arith.constant 0 : i32
    return %c0_i32, %arg0, %c0_i32_0 : i32, i32, i32
  }
  func.func @transform_1(%arg0: i32) -> (i32, i32) {
    %c0_i32 = arith.constant 0 : i32
    %c0_i32_0 = arith.constant 0 : i32
    return %arg0, %c0_i32 : i32, i32
  }
  func.func @transform_2(%arg0: i32) -> (i32, i32) {
    %c0_i32 = arith.constant 0 : i32
    %c0_i32_0 = arith.constant 0 : i32
    %c0_i32_1 = arith.constant 0 : i32
    return %c0_i32, %c0_i32_0 : i32, i32
  }
  func.func @transform_3(%arg0: i32) -> (i32, i32) {
    %c0_i32 = arith.constant 0 : i32
    %c0_i32_0 = arith.constant 0 : i32
    %c0_i32_1 = arith.constant 0 : i32
    return %c0_i32, %c0_i32_0 : i32, i32
  }
  func.func @transform_4(%arg0: i32) -> (i32, i32) {
    %c0_i32 = arith.constant 0 : i32
    %c0_i32_0 = arith.constant 0 : i32
    return %arg0, %c0_i32 : i32, i32
  }
}

</mosaic_0001>

<sc_bundles>
// kernel: kernel.6.cloned.1.call-start
scs
__scs_entry_jumppad:
0x0: {  	(pc) =	sbr.rel $0x88, $3  }
0x1: {  	(tag) =	ssettag $0x0;
	lr =	simm.s32 $0x1  }
0x2: {  	[smem:$0x3F9B] =	sst lr;
	_ =	strace $0xD0000000  }
0x3: {  	_ = 	snop  }
0x4: {  	_ = 	snop  }
0x5: {  	_ = 	snop  }
0x6: {  	_ = 	snop  }
0x7: {  	_ = 	snop  }
__scs_overlays_trampoline_lowered:
0x8: {  	[smem:$0x3FAA] =	sst s0  }
0x9: {  	[smem:$0x3FAB] =	sst s1  }
0xa: {  	[smem:$0x3FAC] =	sst s2  }
0xb: {  	[smem:$0x3FAD] =	sst s3  }
0xc: {  	[smem:$0x3FAE] =	sst s4  }
0xd: {  	[smem:$0x3FAF] =	sst s5  }
0xe: {  	[smem:$0x3FB0] =	sst s6  }
0xf: {  	[smem:$0x3FB1] =	sst s7  }
0x10: {  	[smem:$0x3FB2] =	sst s8  }
0x11: {  	[smem:$0x3FB3] =	sst s9;
	s0 =	simm.s32 @!p0 $0x0  }
0x12: {  	s1 =	sld [smem:$0x3F99];
	s0 =	simm.s32 @p0 $0x1  }
0x13: {  	[smem:$0x3FB4] =	sst s0;
	s0 =	simm.s32 @!p1 $0x0  }
0x14: {  	s2 =	sld [smem:$0x3F98];
	s0 =	simm.s32 @p1 $0x1  }
0x15: {  	[smem:$0x3FB5] =	sst s0;
	s0 =	simm.s32 @!p2 $0x0  }
0x16: {  	s3 =	sld [smem:$0x3FDB];
	s0 =	simm.s32 @p2 $0x1  }
0x17: {  	s4 =	simm.s32 $0x1BF5;
	[smem:$0x3FB7] =	sst s0  }
0x18: {  	s0 =	sld [smem:$0x3F9A];
	_ =	swait.ge [sflag:s4], $0x0  }
0x19: {  	s7 =	sld [smem:$0x3F9B]  }
0x1a: {  	s8 =	sadd.s32 $0xFFFFE003, lr  }
0x1b: {  	s9 =	sadd.s32 $0xFFFFFEF7, lr;
	s5 =	simm.s32 $0xFFFFFFFF;
	p2 =	slt.u32 s8, $0xFFFFF086  }
0x1c: {  	p1 =	slt.u32 s9, $0xF7A;
	s5 =	simm.s32 @!p2 $0x0  }
0x1d: {  	s5 =	simm.s32 @p1 $0x1;
	p0 =	seq.s32 s7, s2  }
0x1e: {  	s7 =	smul.u32 @!p0 $0xF7A, s2;
	p2 =	seq.s32 @!p0 s5, $0x0  }
0x1f: {  	s9 =	smul.u32 $0xF7A, s1;
	s8 =	simm.s32 @!p0 $0x1BF5;
	p2 =	por !p2, p0  }
0x20: {  	[sflag:s8] =	ssyncset.s32 @!p0 $0xFFFFF086;
	s6 =	sadd.s32 @!p0 s3, s7;
	s7 =	simm.s32 @!p0 $0x108  }
0x21: {  	s3 =	sadd.s32 s3, s9;
	s6 =	sadd.s32 @!p0 $0x88, s6;
	s7 =	simm.s32 @p2 $0x1082  }
0x22: {  	[simem:s7], [sflag:s8] =	dma.local @!p0 [hbm:s6], $0xF7A  }
0x23: {  	s9 =	sor.u32 $0xD0000000, s2;
	s6 =	simm.s32 $0x108;
	_ =	swait.ge @!p0 [sflag:s8], $0x0  }
0x24: {  	s3 =	sadd.s32 $0x88, s3;
	s6 =	simm.s32 @!p1 $0x1082;
	[sflag:s4] =	ssyncset.s32 $0xFFFFF086  }
0x25: {  	[simem:s6], [sflag:s4] =	dma.local [hbm:s3], $0xF7A  }
0x26: {  	[smem:$0x3F9B] =	sst s1;
	(tag) =	ssettag s2;
	_ =	strace s9  }
0x27: {  	s1 =	sld [smem:$0x3FAB]  }
0x28: {  	s2 =	sld [smem:$0x3FAC]  }
0x29: {  	s4 =	sld [smem:$0x3FAE]  }
0x2a: {  	p0 =	seq.s32 s5, $0x0;
	s5 =	sld [smem:$0x3FAF]  }
0x2b: {  	s6 =	sld [smem:$0x3FB0]  }
0x2c: {  	s7 =	sld [smem:$0x3FB1]  }
0x2d: {  	s3 =	simm.s32 $0x108;
	s8 =	sld [smem:$0x3FB2]  }
0x2e: {  	s3 =	simm.s32 @!p0 $0x1082;
	s9 =	sld [smem:$0x3FB3]  }
0x2f: {  	lr =	sadd.s32 s0, s3;
	s0 =	sld [smem:$0x3FAA]  }
0x30: {  	s3 =	sld [smem:$0x3FAD]  }
0x31: {  	[smem:$0x3FB6] =	sst s10  }
0x32: {  	s10 =	sld [smem:$0x3FB4];
	_ =	sdelay $0x3  }
0x33: {  	p0 =	seq.s32 s10, $0x1;
	s10 =	sld [smem:$0x3FB6];
	_ =	sdelay $0x3  }
0x34: {  	[smem:$0x3FB6] =	sst s10  }
0x35: {  	s10 =	sld [smem:$0x3FB5];
	_ =	sdelay $0x3  }
0x36: {  	p1 =	seq.s32 s10, $0x1;
	s10 =	sld [smem:$0x3FB6];
	_ =	sdelay $0x3  }
0x37: {  	[smem:$0x3FB6] =	sst s10  }
0x38: {  	s10 =	sld [smem:$0x3FB7]  }
0x39: {  	_ = 	snop;
	(pc) =	sbr.ind lr, $3  }
0x3a: {  	_ = 	snop  }
0x3b: {  	_ = 	snop  }
0x3c: {  	p2 =	seq.s32 s10, $0x1;
	s10 =	sld [smem:$0x3FB6]  }
0x3d: {  	_ =	shalt  }
0x3e: {  	_ =	shalt  }
0x3f: {  	_ =	shalt  }
0x40: {  	_ =	shalt  }
0x41: {  	_ =	shalt  }
0x42: {  	_ =	shalt  }
0x43: {  	_ =	shalt  }
0x44: {  	_ =	shalt  }
0x45: {  	_ =	shalt  }
0x46: {  	_ =	shalt  }
0x47: {  	_ =	shalt  }
0x48: {  	_ =	shalt  }
0x49: {  	_ =	shalt  }
0x4a: {  	_ =	shalt  }
0x4b: {  	_ =	shalt  }
0x4c: {  	_ =	shalt  }
0x4d: {  	_ =	shalt  }
0x4e: {  	_ =	shalt  }
0x4f: {  	_ =	shalt  }
0x50: {  	_ =	shalt  }
0x51: {  	_ =	shalt  }
0x52: {  	_ =	shalt  }
0x53: {  	_ =	shalt  }
0x54: {  	_ =	shalt  }
0x55: {  	_ =	shalt  }
0x56: {  	_ =	shalt  }
0x57: {  	_ =	shalt  }
0x58: {  	_ =	shalt  }
0x59: {  	_ =	shalt  }
0x5a: {  	_ =	shalt  }
0x5b: {  	_ =	shalt  }
0x5c: {  	_ =	shalt  }
0x5d: {  	_ =	shalt  }
0x5e: {  	_ =	shalt  }
0x5f: {  	_ =	shalt  }
0x60: {  	_ =	shalt  }
0x61: {  	_ =	shalt  }
0x62: {  	_ =	shalt  }
0x63: {  	_ =	shalt  }
0x64: {  	_ =	shalt  }
0x65: {  	_ =	shalt  }
0x66: {  	_ =	shalt  }
0x67: {  	_ =	shalt  }
0x68: {  	_ =	shalt  }
0x69: {  	_ =	shalt  }
0x6a: {  	_ =	shalt  }
0x6b: {  	_ =	shalt  }
0x6c: {  	_ =	shalt  }
0x6d: {  	_ =	shalt  }
0x6e: {  	_ =	shalt  }
0x6f: {  	_ =	shalt  }
0x70: {  	_ =	shalt  }
0x71: {  	_ =	shalt  }
0x72: {  	_ =	shalt  }
0x73: {  	_ =	shalt  }
0x74: {  	_ =	shalt  }
0x75: {  	_ =	shalt  }
0x76: {  	_ =	shalt  }
0x77: {  	_ =	shalt  }
0x78: {  	_ =	shalt  }
0x79: {  	_ =	shalt  }
0x7a: {  	_ =	shalt  }
0x7b: {  	_ =	shalt  }
0x7c: {  	_ =	shalt  }
0x7d: {  	_ =	shalt  }
0x7e: {  	_ =	shalt  }
0x7f: {  	_ =	shalt  }
0x80: {  	_ =	shalt  }
0x81: {  	_ =	shalt  }
0x82: {  	_ =	shalt  }
0x83: {  	_ =	shalt  }
0x84: {  	_ =	shalt  }
0x85: {  	_ =	shalt  }
0x86: {  	_ =	shalt  }
0x87: {  	_ =	shalt  }
.Lfunc_end0:
.L_simem_size_0:
called_computation_lowered:
.L_overlay_start_0:
0x88: {  	s2 =	sld [smem:$0x3FD9]  }
0x89: {  	s3 =	sld [smem:$0x3FFE];
	_ =	sdelay $0x1  }
0x8a: {  	s1 =	srdreg.scid  }
0x8b: {  	s0 =	sand.u32 $0x1, s1  }
0x8c: {  	s17 =	sshll.u32 s0, $0xA;
	s2 =	sadd.s32 s3, s2  }
0x8d: {  	s2 =	sadd.s32 s2, s17  }
0x8e: {  	[smem:$0x3FC2] =	sst s2  }
0x8f: {  	_ = 	snop  }
0x90: {  	s2 =	sld [smem:$0x3FC4]  }
0x91: {  	s18 =	sld [smem:$0x3FD0];
	(tm) =	ssettm $0x1  }
0x92: {  	s4 =	sld [smem:$0x3FFB];
	_ =	sdelay $0x3  }
0x93: {  	_ =	strace s4  }
0x94: {  	s4 =	sld [smem:$0x3FFC];
	_ =	sdelay $0x3  }
0x95: {  	_ =	strace s4  }
0x96: {  	s4 =	sld [smem:$0x3FFD];
	_ =	sdelay $0x3  }
0x97: {  	_ =	strace s4  }
0x98: {  	_ =	strace $0x8FFFFFFF  }
0x99: {  	s19 =	sld [smem:$0x3FDB];
	_ =	sdelay $0x1  }
0x9a: {  	s5 =	simm.s32 $_scs_section_size  }
0x9b: {  	s6 =	simm.s32 $_size__tile_overlayer_lowered;
	s7 =	simm.s32 $_tile_overlayer_lowered  }
0x9c: {  	s22 =	simm.s32 $0x1BFF;
	s21 =	sshll.u32 s7, $0x1;
	s4 =	sadd.s32 s5, s19  }
0x9d: {  	s8 =	simm.s32 $0x0;
	s20 =	sshll.u32 s6, $0x1;
	s6 =	sadd.s32 s21, s4  }
0x9e: {  	[timem:s8], [sflag:s22] =	dma.local [hbm:s6], s20  }
0x9f: {  	_ =	swait.ge [sflag:s22], s20  }
0xa0: {  	s5 =	ssub.s32 $0x0, s20;
	[sflag:s22] =	ssyncset.done $0x0  }
0xa1: {  	[sflag:s22] =	ssyncadd.s32 s5;
	_ =	sdelay $0x1  }
0xa2: {  	s23 =	simm.s32 $0x1B8B  }
0xa3: {  	_ =	swait.ge [sflag:s23], $0x1  }
0xa4: {  	[sflag:s23] =	ssyncset.done $0x0  }
0xa5: {  	s25 =	simm.s32 $0x1B8E;
	s24 =	sld [smem:$0x3FFE];
	[sflag:s23] =	ssyncadd.s32 $0xFFFFFFFF  }
0xa6: {  	s26 =	simm.s32 $execute0_lowered;
	[smem:$0x3FD2] =	sst s25  }
0xa7: {  	s6 =	sshll.u32 s26, $0x1;
	_ =	strace $0x80000046;
	[dreg:$0x1] =	wrdreg $0xFFFFFFFF  }
0xa8: {  	s28 =	simm.s32 $_size_execute0_lowered;
	s4 =	sadd.s32 s4, s6;
	[dreg:$0x0] =	wrdreg $0x0  }
0xa9: {  	s6 =	sshll.u32 s28, $0x1;
	[dreg:$0x2] =	wrdreg s4  }
0xaa: {  	[dreg:$0x3] =	wrdreg s6  }
0xab: {  	[dreg:$0x4] =	wrdreg $0xC0  }
0xac: {  	_ =	task [dreg:s8], $0x5FFFF  }
0xad: {  	[dreg:$0x1] =	wrdreg $0xFFFFFFFF  }
0xae: {  	[dreg:$0x0] =	wrdreg $0x60  }
0xaf: {  	[dreg:$0x2] =	wrdreg s2  }
0xb0: {  	[dreg:$0x3] =	wrdreg s24  }
0xb1: {  	[dreg:$0x4] =	wrdreg s18  }
0xb2: {  	[dreg:$0x5] =	wrdreg $0xF0000  }
0xb3: {  	[dreg:$0x6] =	wrdreg $0x9  }
0xb4: {  	_ =	task.clear_ibuf [dreg:s8], $0x7FFFF;
	_ =	strace $0x90000046  }
0xb5: {  	s29 =	simm.s32 $0x9;
	_ =	strace $0x80000048  }
0xb6: {  	_ =	swait.ge [sflag:s29], $0x1  }
0xb7: {  	[sflag:s29] =	ssyncadd.s32 $0xFFFFFFFF  }
0xb8: {  	_ =	strace $0x90000048  }
0xb9: {  	_ =	sfence  }
0xba: {  	s30 =	sld [smem:$0x0];
	_ =	sdelay $0x2  }
0xbb: {  	s31 =	sshll.u32 s1, $0xD;
	s1 =	sshrl.u32 s1, $0x2  }
0xbc: {  	s3 =	sand.u32 $0x4000, s31;
	s1 =	sadd.s32 s1, s30  }
0xbd: {  	s0 =	sor.u32 s3, s0;
	s1 =	sshll.u32 s1, $0x11  }
0xbe: {  	s0 =	sor.u32 s1, s0  }
0xbf: {  	s0 =	sadd.s32 $0x8F2B, s0  }
0xc0: {  	[sflag:s0] =	ssyncadd.remote.s32 $0x1  }
0xc1: {  	_ =	sfence.sel $0xFFFF  }
0xc2: {  	[dreg:$0x0] =	wrdreg $0xFFFFFFFF;
	(pc) =	sbr.abs _section_cstart, $3  }
0xc3: {  	[dreg:$0x1] =	wrdreg $0xFFFFFFFF  }
0xc4: {  	_ =	task.clear_ibuf [dreg:s8], $0x2FFFF;
	_ =	strace $0x9FFFFFFF  }
0xc5: {  	(tm) =	ssettm $0x7FFFFFFF  }
tec
execute0_lowered:
.L_overlay_start_1:
0x0: {  	(tag) =	ssettag $0x1  }
0x1: {  	s0 =	rddreg [dreg:$0x0]  }
0x2: {  	s9 =	rddreg [dreg:$0x1]  }
0x3: {  	s7 =	rddreg [dreg:$0x2];
	s1 =	srdreg.scid  }
0x4: {  	s13 =	stileid.u32;
	s2 =	rddreg [dreg:$0x3]  }
0x5: {  	s14 =	simm.s32 $0x1FE00;
	s16 =	simm.s32 $0x5080;
	s17 =	simm.s32 $0x0  }
0x6: {  	s8 =	sand.u32 $0x1, s1;
	s3 =	sshll.u32 s13, $0x1;
	s1 =	rddreg [dreg:$0x4]  }
0x7: {  	s15 =	smul.u32 $0xA0, s13;
	s6 =	sor.u32 s8, s3;
	s3 =	simm.s32 $0x0  }
0x8: {  	s5 =	ssub.s32 $0x2, s8;
	p0 =	seq.s32 s8, $0x1;
	s31 =	smul.u32 $0x50, s8  }
0x9: {  	s4 =	smul.u32 $0x500, s6;
	[smem:$0x7FF] =	sst s3;
	s10 =	sshrl.u32 s5, $0x1  }
0xa: {  	s12 =	smul.u32 $0xA00, s6;
	s14 =	simm.s32 @!p0 $0x1F800;
	p0 =	sne.s32 s13, $0x0  }
0xb: {  	s13 =	simm.s32 $0x2;
	_ =	strace $0x80000047;
	s10 =	ssub.s32 s5, s10  }
0xc: {  	s11 =	sadd.s32 s4, s9;
	s7 =	sadd.s32 s7, s12;
	s8 =	smax.u32 s10, $0x1  }
0xd: {  	s9 =	sadd.s32 s14, s9;
	s10 =	sadd.s32 s31, s15;
	s12 =	simm.s32 $0x2880  }
0xe: {  	s14 =	simm.s32 $0xC880;
	s15 =	simm.s32 $0x1;
	s4 =	sadd.s32 $0x15800, s11  }
0xf: {  	v0 =	vimm.f32 $0.0e+00;
	s5 =	sadd.s32 $0xB800, s11;
	s6 =	sadd.s32 $0x1800, s11;
	s11 =	simm.s32 $0x80  }
.LBB2_1:
0x10: {  	[tilespmem:s11], [sflag:$0x1] =	stream.linear.gather [hbm4b:s4+s3], $0x2800, $0x38;
	[tilespmem:$0xF278] =	vst v63  }
0x11: {  	s18 =	simm.s32 $0x5100  }
0x12: {  	s19 =	simm.s32 $0x10;
	s21 =	sadd.s32 $0x0, s6;
	s20 =	simm.s32 $0x5200  }
0x13: {  	[tilespmem:s12], [sflag:$0x1] =	stream.linear.gather [hbm4b:s5+s3], $0x2800, $0x38;
	[tilespmem:$0xF278] =	vst v63  }
.LBB2_2:
0x14: {  	[tilespmem:s18], [sflag:$0x1] =	stream.linear.gather [hbm4b:s21+s3], $0x80, $0x38;
	[tilespmem:$0xF278] =	vst v63  }
0x15: {  	s21 =	smov.u32 s19;
	s18 =	smov.u32 s20;
	p1 =	sne.s32 s19, $0x4F0  }
.Ltmp0:
0x16: {  	s19 =	sadd.s32 $0x10, s19;
	(pc) =	sbr.rel @p1 .LBB2_2-.Ltmp0, $2  }
0x17: {  	_ =	sdelay $0x2  }
0x18: {  	s20 =	sadd.s32 $0x100, s20;
	s21 =	sadd.s32 s21, s6  }
0x19: {  	[tilespmem:s18], [sflag:$0x1] =	stream.linear.gather [hbm4b:s21+s3], $0x80, $0x38;
	[tilespmem:$0xF278] =	vst v63  }
0x1a: {  	s31 =	simm.s32 $0x0  }
0x1b: {  	[tilespmem:s31], [sflag:$0x2] =	stream.linear.gather [hbm4b:s0+s31], $0x80, $0x38;
	[tilespmem:$0xF278] =	vst v63  }
.Ltmp1:
0x1c: {  	_ = 	snop;
	(pc) =	sbr.rel @p0 .LBB2_7-.Ltmp1, $4  }
0x1d: {  	_ =	swait.ge [sflag:s13], $0x80  }
0x1e: {  	[sflag:s13] =	ssyncset.done $0x0  }
0x1f: {  	[sflag:s13] =	ssyncadd.s32 $0xFFFFFF80  }
0x20: {  	v1 =	vld [tilespmem:$0x0]  }
0x21: {  	s18 =	simm.s32 $0x40;
	s19 =	simm.s32 $0x0  }
.LBB2_5:
0x22: {  	p1 =	sne.s32 s18, $0x9C00;
	[tilespmem:s19+$0xC880] =	vst v0;
	s19 =	smov.u32 s18;
	s18 =	sadd.s32 $0x40, s18  }
.Ltmp2:
0x23: {  	(pc) =	sbr.rel @p1 .LBB2_5-.Ltmp2, $2  }
0x24: {  	_ =	sdelay $0x2  }
0x25: {  	s19 =	sshra.s32 s19, $0x2  }
0x26: {  	[tilespmem:s19+$0xC880] =	vst v0  }
0x27: {  	[spmem:s2] =	stream.linear.scatter [tilespmem:s14], [sflag:$0x2], $0x2780, $0x38;
	[tilespmem:$0xF278] =	vst v63  }
0x28: {  	_ =	swait.ge [sflag:s13], $0x2780  }
0x29: {  	[sflag:s13] =	ssyncset.done $0x0  }
0x2a: {  	[sflag:s13] =	ssyncadd.s32 $0xFFFFD880  }
.LBB2_7:
0x2b: {  	_ =	swait.ge [sflag:s15], $0x2800  }
0x2c: {  	[sflag:s15] =	ssyncset.done $0x0  }
0x2d: {  	[sflag:s15] =	ssyncadd.s32 $0xFFFFD800  }
0x2e: {  	_ =	swait.ge [sflag:s15], $0x2800  }
0x2f: {  	[sflag:s15] =	ssyncset.done $0x0  }
0x30: {  	[sflag:s15] =	ssyncadd.s32 $0xFFFFD800  }
0x31: {  	_ =	swait.ge [sflag:s15], $0x2800  }
0x32: {  	[sflag:s15] =	ssyncset.done $0x0  }
0x33: {  	s18 =	simm.s32 $0x0;
	[sflag:s15] =	ssyncadd.s32 $0xFFFFD800  }
0x34: {  	p1 =	slt.u32 s10, $0x9C4;
	s19 =	simm.s32 $0x1;
	v2 =	vld [tilespmem:s18+$0x80]  }
0x35: {  	s19 =	simm.s32 @!p1 $0x0  }
0x36: {  	v3 =	vmov s19  }
0x37: {  	v3 =	vmul.u32 $0x2710, v3;
	v4 =	vld [tilespmem:s18+$0x2880];
	_ =	sdelay $0x1  }
0x38: {  	v3 =	vbroadcast v3, $0x0;
	v2 =	vadd.s32 $0xFFFFFFFF, v2  }
0x39: {  	s20 =	simm.s32 $0x0;
	v2 =	vand.u32 $0xF, v2  }
0x3a: {  	s20 =	simm.s32 @!p1 $0x27100;
	v5 =	vmul.u32 v2, v3  }
0x3b: {  	v4 =	vadd.s32 s20, v4  }
0x3c: {  	s19 =	simm.s32 $0x50C0;
	v4 =	vadd.s32 v5, v4  }
0x3d: {  	[tilespmem:s19+$0xFFFFFFC0] =	vst v4  }
0x3e: {  	v1 =	vmul.f32 $1.000000000e+01, v1;
	v4 =	vld [tilespmem:s18+$0x90];
	_ =	sdelay $0x1  }
0x3f: {  	v53 =	vmul.f32 $9.999999770e-03, v1  }
0x40: {  	vm0 =	vge.f32 v1, $0.0e+00;
	v6 =	vld [tilespmem:s18+$0x2890]  }
0x41: {  	v1 =	vsel vm0, v1, v53  }
0x42: {  	s21 =	simm.f32 $1.000000000e+00;
	v2 =	vperm.xlane v1, v2;
	v4 =	vadd.s32 $0xFFFFFFFF, v4  }
0x43: {  	s21 =	simm.s32 @!p1 $0x0;
	v4 =	vand.u32 $0xF, v4  }
0x44: {  	v2 =	vmul.f32 s21, v2;
	v54 =	vmul.u32 v4, v3  }
0x45: {  	v6 =	vadd.s32 s20, v6  }
0x46: {  	[tilespmem:s18+$0xA080] =	vst v2;
	v2 =	vadd.s32 v54, v6  }
0x47: {  	[tilespmem:s19+$0xFFFFFFD0] =	vst v2  }
0x48: {  	v2 =	vld [tilespmem:s18+$0xA0];
	_ =	sdelay $0x2  }
0x49: {  	v55 =	vld [tilespmem:s18+$0x28A0];
	_ =	sdelay $0x1  }
0x4a: {  	v4 =	vperm.xlane v1, v4;
	v2 =	vadd.s32 $0xFFFFFFFF, v2  }
0x4b: {  	v2 =	vand.u32 $0xF, v2  }
0x4c: {  	v4 =	vmul.f32 s21, v4;
	v56 =	vmul.u32 v2, v3  }
0x4d: {  	v5 =	vadd.s32 s20, v55  }
0x4e: {  	[tilespmem:s18+$0xA090] =	vst v4;
	v57 =	vadd.s32 v56, v5  }
0x4f: {  	[tilespmem:s19+$0xFFFFFFE0] =	vst v57  }
0x50: {  	v4 =	vld [tilespmem:s18+$0xB0];
	_ =	sdelay $0x2  }
0x51: {  	v58 =	vld [tilespmem:s18+$0x28B0];
	_ =	sdelay $0x1  }
0x52: {  	v2 =	vperm.xlane v1, v2;
	v4 =	vadd.s32 $0xFFFFFFFF, v4  }
0x53: {  	v4 =	vand.u32 $0xF, v4  }
0x54: {  	v2 =	vmul.f32 s21, v2;
	v59 =	vmul.u32 v4, v3  }
0x55: {  	v5 =	vadd.s32 s20, v58  }
0x56: {  	[tilespmem:s18+$0xA0A0] =	vst v2;
	v2 =	vadd.s32 v59, v5  }
0x57: {  	[tilespmem:s19+$0xFFFFFFF0] =	vst v2  }
0x58: {  	v2 =	vld [tilespmem:s18+$0xC0];
	_ =	sdelay $0x2  }
0x59: {  	v60 =	vld [tilespmem:s18+$0x28C0]  }
0x5a: {  	v4 =	vperm.xlane v1, v4  }
0x5b: {  	v2 =	vadd.s32 $0xFFFFFFFF, v2  }
0x5c: {  	v4 =	vmul.f32 s21, v4;
	v2 =	vand.u32 $0xF, v2  }
0x5d: {  	v61 =	vmul.u32 v2, v3;
	v2 =	vperm.xlane v1, v2  }
0x5e: {  	[tilespmem:s18+$0xA0B0] =	vst v4;
	v4 =	vadd.s32 s20, v60  }
0x5f: {  	v4 =	vadd.s32 v61, v4;
	v2 =	vmul.f32 s21, v2  }
0x60: {  	[tilespmem:s19+$0x0] =	vst v4  }
0x61: {  	[tilespmem:s18+$0xA0C0] =	vst v2;
	v2 =	vld [tilespmem:s18+$0xD0];
	_ =	sdelay $0x2  }
0x62: {  	v4 =	vld [tilespmem:s18+$0x28D0];
	_ =	sdelay $0x1  }
0x63: {  	v2 =	vadd.s32 $0xFFFFFFFF, v2  }
0x64: {  	v2 =	vand.u32 $0xF, v2  }
0x65: {  	v62 =	vmul.u32 v2, v3;
	v2 =	vperm.xlane v1, v2  }
0x66: {  	v4 =	vadd.s32 s20, v4  }
0x67: {  	v4 =	vadd.s32 v62, v4;
	v2 =	vmul.f32 s21, v2  }
0x68: {  	[tilespmem:s19+$0x10] =	vst v4  }
0x69: {  	[tilespmem:s18+$0xA0D0] =	vst v2;
	v2 =	vld [tilespmem:s18+$0xE0];
	_ =	sdelay $0x2  }
0x6a: {  	v4 =	vld [tilespmem:s18+$0x28E0];
	_ =	sdelay $0x1  }
0x6b: {  	v2 =	vadd.s32 $0xFFFFFFFF, v2  }
0x6c: {  	v2 =	vand.u32 $0xF, v2  }
0x6d: {  	v63 =	vmul.u32 v2, v3;
	v2 =	vperm.xlane v1, v2  }
0x6e: {  	v4 =	vadd.s32 s20, v4  }
0x6f: {  	v4 =	vadd.s32 v63, v4;
	v2 =	vmul.f32 s21, v2  }
0x70: {  	[tilespmem:s19+$0x20] =	vst v4  }
0x71: {  	[tilespmem:s18+$0xA0E0] =	vst v2;
	v2 =	vld [tilespmem:s18+$0xF0];
	_ =	sdelay $0x2  }
0x72: {  	v4 =	vld [tilespmem:s18+$0x28F0];
	_ =	sdelay $0x1  }
0x73: {  	v2 =	vadd.s32 $0xFFFFFFFF, v2  }
0x74: {  	v2 =	vand.u32 $0xF, v2  }
0x75: {  	v3 =	vmul.u32 v2, v3  }
0x76: {  	v4 =	vadd.s32 s20, v4;
	v2 =	vperm.xlane v1, v2  }
0x77: {  	v3 =	vadd.s32 v3, v4  }
0x78: {  	s24 =	simm.s32 $0x400;
	s23 =	simm.s32 $0x80;
	s20 =	sadd.s32 $0x1, s10;
	v2 =	vmul.f32 s21, v2;
	[tilespmem:s19+$0x30] =	vst v3  }
.LBB2_8:
0x79: {  	p2 =	slt.u32 s20, $0x9C4;
	s19 =	sadd.s32 $0x100, s19;
	s22 =	smov.u32 s24  }
0x7a: {  	v3 =	vld [tilespmem:s23+$0x80];
	[tilespmem:s18+$0xA0F0] =	vst v2;
	s21 =	sadd.s32 $0x200, s24;
	s18 =	smov.u32 s23;
	s23 =	simm.s32 $0x1  }
0x7b: {  	p1 =	sne.s32 s24, $0x9E00;
	s23 =	simm.s32 @!p2 $0x0  }
0x7c: {  	v2 =	vmov s23  }
0x7d: {  	v2 =	vmul.u32 $0x2710, v2;
	v4 =	vld [tilespmem:s18+$0x2880];
	_ =	sdelay $0x1  }
0x7e: {  	v3 =	vadd.s32 $0xFFFFFFFF, v3;
	v2 =	vbroadcast v2, $0x0  }
0x7f: {  	s23 =	simm.s32 $0x0;
	v3 =	vand.u32 $0xF, v3  }
0x80: {  	s24 =	simm.f32 $1.000000000e+00;
	s23 =	simm.s32 @!p2 $0x27100;
	v5 =	vmul.u32 v3, v2;
	v3 =	vperm.xlane v1, v3  }
0x81: {  	s24 =	simm.s32 @!p2 $0x0;
	v4 =	vadd.s32 s23, v4  }
0x82: {  	v4 =	vadd.s32 v5, v4;
	v3 =	vmul.f32 s24, v3  }
0x83: {  	[tilespmem:s19+$0xFFFFFFC0] =	vst v4  }
0x84: {  	v4 =	vld [tilespmem:s18+$0x90];
	_ =	sdelay $0x2  }
0x85: {  	v5 =	vld [tilespmem:s18+$0x2890];
	_ =	sdelay $0x1  }
0x86: {  	v4 =	vadd.s32 $0xFFFFFFFF, v4  }
0x87: {  	v4 =	vand.u32 $0xF, v4  }
0x88: {  	v6 =	vmul.u32 v4, v2;
	v4 =	vperm.xlane v1, v4  }
0x89: {  	v5 =	vadd.s32 s23, v5  }
0x8a: {  	[tilespmem:s18+$0xA080] =	vst v3;
	v3 =	vadd.s32 v6, v5;
	v4 =	vmul.f32 s24, v4  }
0x8b: {  	[tilespmem:s19+$0xFFFFFFD0] =	vst v3  }
0x8c: {  	v3 =	vld [tilespmem:s18+$0xA0];
	_ =	sdelay $0x2  }
0x8d: {  	v5 =	vld [tilespmem:s18+$0x28A0];
	_ =	sdelay $0x1  }
0x8e: {  	v3 =	vadd.s32 $0xFFFFFFFF, v3  }
0x8f: {  	v3 =	vand.u32 $0xF, v3  }
0x90: {  	v6 =	vmul.u32 v3, v2;
	v3 =	vperm.xlane v1, v3  }
0x91: {  	v5 =	vadd.s32 s23, v5  }
0x92: {  	[tilespmem:s18+$0xA090] =	vst v4;
	v4 =	vadd.s32 v6, v5;
	v3 =	vmul.f32 s24, v3  }
0x93: {  	[tilespmem:s19+$0xFFFFFFE0] =	vst v4  }
0x94: {  	v4 =	vld [tilespmem:s18+$0xB0];
	_ =	sdelay $0x2  }
0x95: {  	v5 =	vld [tilespmem:s18+$0x28B0];
	_ =	sdelay $0x1  }
0x96: {  	v4 =	vadd.s32 $0xFFFFFFFF, v4  }
0x97: {  	v4 =	vand.u32 $0xF, v4  }
0x98: {  	v6 =	vmul.u32 v4, v2;
	v4 =	vperm.xlane v1, v4  }
0x99: {  	v5 =	vadd.s32 s23, v5  }
0x9a: {  	[tilespmem:s18+$0xA0A0] =	vst v3;
	v3 =	vadd.s32 v6, v5;
	v4 =	vmul.f32 s24, v4  }
0x9b: {  	[tilespmem:s19+$0xFFFFFFF0] =	vst v3  }
0x9c: {  	[tilespmem:s18+$0xA0B0] =	vst v4;
	v3 =	vld [tilespmem:s18+$0xC0]  }
0x9d: {  	v4 =	vld [tilespmem:s18+$0x28C0];
	_ =	sdelay $0x3  }
0x9e: {  	v3 =	vadd.s32 $0xFFFFFFFF, v3  }
0x9f: {  	v3 =	vand.u32 $0xF, v3  }
0xa0: {  	v5 =	vmul.u32 v3, v2;
	v3 =	vperm.xlane v1, v3  }
0xa1: {  	v4 =	vadd.s32 s23, v4  }
0xa2: {  	v4 =	vadd.s32 v5, v4;
	v3 =	vmul.f32 s24, v3  }
0xa3: {  	[tilespmem:s19+$0x0] =	vst v4  }
0xa4: {  	[tilespmem:s18+$0xA0C0] =	vst v3;
	v3 =	vld [tilespmem:s18+$0xD0]  }
0xa5: {  	v4 =	vld [tilespmem:s18+$0x28D0];
	_ =	sdelay $0x3  }
0xa6: {  	v3 =	vadd.s32 $0xFFFFFFFF, v3  }
0xa7: {  	v3 =	vand.u32 $0xF, v3  }
0xa8: {  	v5 =	vmul.u32 v3, v2;
	v3 =	vperm.xlane v1, v3  }
0xa9: {  	v4 =	vadd.s32 s23, v4  }
0xaa: {  	v4 =	vadd.s32 v5, v4;
	v3 =	vmul.f32 s24, v3  }
0xab: {  	[tilespmem:s19+$0x10] =	vst v4  }
0xac: {  	[tilespmem:s18+$0xA0D0] =	vst v3;
	v3 =	vld [tilespmem:s18+$0xE0]  }
0xad: {  	v4 =	vld [tilespmem:s18+$0x28E0];
	_ =	sdelay $0x3  }
0xae: {  	v3 =	vadd.s32 $0xFFFFFFFF, v3  }
0xaf: {  	v3 =	vand.u32 $0xF, v3  }
0xb0: {  	v5 =	vmul.u32 v3, v2;
	v3 =	vperm.xlane v1, v3  }
0xb1: {  	v4 =	vadd.s32 s23, v4  }
0xb2: {  	v4 =	vadd.s32 v5, v4;
	v3 =	vmul.f32 s24, v3  }
0xb3: {  	[tilespmem:s19+$0x20] =	vst v4  }
0xb4: {  	[tilespmem:s18+$0xA0E0] =	vst v3;
	v3 =	vld [tilespmem:s18+$0xF0]  }
0xb5: {  	v4 =	vld [tilespmem:s18+$0x28F0];
	_ =	sdelay $0x3  }
0xb6: {  	v3 =	vadd.s32 $0xFFFFFFFF, v3  }
.Ltmp3:
0xb7: {  	v3 =	vand.u32 $0xF, v3;
	(pc) =	sbr.rel @p1 .LBB2_8-.Ltmp3, $4  }
0xb8: {  	v2 =	vmul.u32 v3, v2;
	v3 =	vperm.xlane v1, v3  }
0xb9: {  	v4 =	vadd.s32 s23, v4  }
0xba: {  	v4 =	vadd.s32 v2, v4;
	v2 =	vmul.f32 s24, v3  }
0xbb: {  	s20 =	sadd.s32 $0x1, s20;
	s23 =	sshra.s32 s22, $0x2;
	s24 =	smov.u32 s21;
	[tilespmem:s19+$0x30] =	vst v4  }
0xbc: {  	p1 =	slt.u32 s20, $0x9C4;
	v3 =	vld [tilespmem:s23+$0x80];
	s20 =	simm.s32 $0x1  }
0xbd: {  	s20 =	simm.s32 @!p1 $0x0  }
0xbe: {  	[tilespmem:s18+$0xA0F0] =	vst v2;
	v2 =	vmov s20  }
0xbf: {  	v4 =	vld [tilespmem:s23+$0x2880];
	v2 =	vmul.u32 $0x2710, v2;
	_ =	sdelay $0x1  }
0xc0: {  	v3 =	vadd.s32 $0xFFFFFFFF, v3;
	v2 =	vbroadcast v2, $0x0  }
0xc1: {  	s18 =	simm.s32 $0x0;
	v3 =	vand.u32 $0xF, v3  }
0xc2: {  	s18 =	simm.s32 @!p1 $0x27100;
	v5 =	vmul.u32 v3, v2  }
0xc3: {  	v4 =	vadd.s32 s18, v4  }
0xc4: {  	s19 =	sadd.s32 $0x100, s19;
	v4 =	vadd.s32 v5, v4  }
0xc5: {  	[tilespmem:s19+$0xFFFFFFC0] =	vst v4  }
0xc6: {  	v4 =	vld [tilespmem:s23+$0x90];
	_ =	sdelay $0x2  }
0xc7: {  	v54 =	vld [tilespmem:s23+$0x2890];
	_ =	sdelay $0x1  }
0xc8: {  	s20 =	simm.f32 $1.000000000e+00;
	v3 =	vperm.xlane v1, v3;
	v4 =	vadd.s32 $0xFFFFFFFF, v4  }
0xc9: {  	s20 =	simm.s32 @!p1 $0x0;
	v4 =	vand.u32 $0xF, v4  }
0xca: {  	v3 =	vmul.f32 s20, v3;
	v6 =	vmul.u32 v4, v2  }
0xcb: {  	v5 =	vadd.s32 s18, v54  }
0xcc: {  	[tilespmem:s23+$0xA080] =	vst v3;
	v3 =	vadd.s32 v6, v5  }
0xcd: {  	[tilespmem:s19+$0xFFFFFFD0] =	vst v3  }
0xce: {  	v3 =	vld [tilespmem:s23+$0xA0];
	_ =	sdelay $0x2  }
0xcf: {  	v55 =	vld [tilespmem:s23+$0x28A0];
	_ =	sdelay $0x1  }
0xd0: {  	v4 =	vperm.xlane v1, v4;
	v3 =	vadd.s32 $0xFFFFFFFF, v3  }
0xd1: {  	v3 =	vand.u32 $0xF, v3  }
0xd2: {  	v4 =	vmul.f32 s20, v4;
	v56 =	vmul.u32 v3, v2  }
0xd3: {  	v5 =	vadd.s32 s18, v55  }
0xd4: {  	[tilespmem:s23+$0xA090] =	vst v4;
	v57 =	vadd.s32 v56, v5  }
0xd5: {  	[tilespmem:s19+$0xFFFFFFE0] =	vst v57  }
0xd6: {  	v4 =	vld [tilespmem:s23+$0xB0];
	_ =	sdelay $0x2  }
0xd7: {  	v58 =	vld [tilespmem:s23+$0x28B0];
	_ =	sdelay $0x1  }
0xd8: {  	v3 =	vperm.xlane v1, v3;
	v4 =	vadd.s32 $0xFFFFFFFF, v4  }
0xd9: {  	v4 =	vand.u32 $0xF, v4  }
0xda: {  	v3 =	vmul.f32 s20, v3;
	v59 =	vmul.u32 v4, v2  }
0xdb: {  	v5 =	vadd.s32 s18, v58  }
0xdc: {  	[tilespmem:s23+$0xA0A0] =	vst v3;
	v3 =	vadd.s32 v59, v5  }
0xdd: {  	[tilespmem:s19+$0xFFFFFFF0] =	vst v3  }
0xde: {  	v3 =	vld [tilespmem:s23+$0xC0];
	_ =	sdelay $0x2  }
0xdf: {  	v60 =	vld [tilespmem:s23+$0x28C0]  }
0xe0: {  	v4 =	vperm.xlane v1, v4  }
0xe1: {  	v3 =	vadd.s32 $0xFFFFFFFF, v3  }
0xe2: {  	v4 =	vmul.f32 s20, v4;
	v3 =	vand.u32 $0xF, v3  }
0xe3: {  	v61 =	vmul.u32 v3, v2;
	v3 =	vperm.xlane v1, v3  }
0xe4: {  	[tilespmem:s23+$0xA0B0] =	vst v4;
	v4 =	vadd.s32 s18, v60  }
0xe5: {  	v4 =	vadd.s32 v61, v4;
	v3 =	vmul.f32 s20, v3  }
0xe6: {  	[tilespmem:s19+$0x0] =	vst v4  }
0xe7: {  	[tilespmem:s23+$0xA0C0] =	vst v3;
	v3 =	vld [tilespmem:s23+$0xD0];
	_ =	sdelay $0x2  }
0xe8: {  	v4 =	vld [tilespmem:s23+$0x28D0];
	_ =	sdelay $0x1  }
0xe9: {  	v3 =	vadd.s32 $0xFFFFFFFF, v3  }
0xea: {  	v3 =	vand.u32 $0xF, v3  }
0xeb: {  	v62 =	vmul.u32 v3, v2;
	v3 =	vperm.xlane v1, v3  }
0xec: {  	v4 =	vadd.s32 s18, v4  }
0xed: {  	v4 =	vadd.s32 v62, v4;
	v3 =	vmul.f32 s20, v3  }
0xee: {  	[tilespmem:s19+$0x10] =	vst v4  }
0xef: {  	[tilespmem:s23+$0xA0D0] =	vst v3;
	v3 =	vld [tilespmem:s23+$0xE0];
	_ =	sdelay $0x2  }
0xf0: {  	v4 =	vld [tilespmem:s23+$0x28E0];
	_ =	sdelay $0x1  }
0xf1: {  	v3 =	vadd.s32 $0xFFFFFFFF, v3  }
0xf2: {  	v3 =	vand.u32 $0xF, v3  }
0xf3: {  	v63 =	vmul.u32 v3, v2;
	v3 =	vperm.xlane v1, v3  }
0xf4: {  	v4 =	vadd.s32 s18, v4  }
0xf5: {  	v4 =	vadd.s32 v63, v4;
	v3 =	vmul.f32 s20, v3  }
0xf6: {  	[tilespmem:s19+$0x20] =	vst v4  }
0xf7: {  	[tilespmem:s23+$0xA0E0] =	vst v3;
	v3 =	vld [tilespmem:s23+$0xF0];
	_ =	sdelay $0x2  }
0xf8: {  	v4 =	vld [tilespmem:s23+$0x28F0];
	_ =	sdelay $0x1  }
0xf9: {  	v3 =	vadd.s32 $0xFFFFFFFF, v3  }
0xfa: {  	v3 =	vand.u32 $0xF, v3  }
0xfb: {  	v2 =	vmul.u32 v3, v2;
	v1 =	vperm.xlane v1, v3  }
0xfc: {  	v3 =	vadd.s32 s18, v4  }
0xfd: {  	v2 =	vadd.s32 v2, v3;
	v1 =	vmul.f32 s20, v1  }
0xfe: {  	[tilespmem:s19+$0x30] =	vst v2  }
0xff: {  	s26 =	simm.s32 $0x0;
	[tilespmem:s23+$0xA0F0] =	vst v1  }
0x100: {  	[hbm4b:s7+s26] =	stream.linear.scatter [tilespmem:s16], [sflag:$0x2], $0x5000, $0x38;
	[tilespmem:$0xF278] =	vst v63  }
0x101: {  	_ =	swait.ge [sflag:s13], $0x5000  }
0x102: {  	[sflag:s13] =	ssyncset.done $0x0  }
0x103: {  	[sflag:s13] =	ssyncadd.s32 $0xFFFFB000  }
0x104: {  	s28 =	simm.s32 $0xA080;
	s29 =	simm.s32 $0x5100;
	[bflag:$0x0] =	sbarrier.arrive $0xFFFF  }
0x105: {  	[spmem:s2] =	stream.indirect.scatter.add.f32 [tilespmem:s28], [sflag:$0x1], $0x1, s29, s11, $0xb8;
	[tilespmem:$0xF278] =	vst v63  }
0x106: {  	s30 =	simm.s32 $0xA100;
	s31 =	simm.s32 $0x5200  }
0x107: {  	[spmem:s2] =	stream.indirect.scatter.add.f32 [tilespmem:s30], [sflag:$0x1], $0x1, s31, s11, $0xb8;
	[tilespmem:$0xF278] =	vst v63  }
0x108: {  	s20 =	simm.s32 $0x5300;
	s19 =	simm.s32 $0xA180  }
0x109: {  	[spmem:s2] =	stream.indirect.scatter.add.f32 [tilespmem:s19], [sflag:$0x1], $0x1, s20, s11, $0xb8;
	[tilespmem:$0xF278] =	vst v63  }
0x10a: {  	s21 =	simm.s32 $0xA200;
	s22 =	simm.s32 $0x5400  }
0x10b: {  	[spmem:s2] =	stream.indirect.scatter.add.f32 [tilespmem:s21], [sflag:$0x1], $0x1, s22, s11, $0xb8;
	[tilespmem:$0xF278] =	vst v63  }
0x10c: {  	s24 =	simm.s32 $0x5500;
	s23 =	simm.s32 $0xA280  }
0x10d: {  	[spmem:s2] =	stream.indirect.scatter.add.f32 [tilespmem:s23], [sflag:$0x1], $0x1, s24, s11, $0xb8;
	[tilespmem:$0xF278] =	vst v63  }
0x10e: {  	s25 =	simm.s32 $0xA300;
	s26 =	simm.s32 $0x5600  }
0x10f: {  	[spmem:s2] =	stream.indirect.scatter.add.f32 [tilespmem:s25], [sflag:$0x1], $0x1, s26, s11, $0xb8;
	[tilespmem:$0xF278] =	vst v63  }
0x110: {  	s28 =	simm.s32 $0xA380;
	s29 =	simm.s32 $0x5700  }
0x111: {  	[spmem:s2] =	stream.indirect.scatter.add.f32 [tilespmem:s28], [sflag:$0x1], $0x1, s29, s11, $0xb8;
	[tilespmem:$0xF278] =	vst v63  }
0x112: {  	s30 =	simm.s32 $0xA400;
	s31 =	simm.s32 $0x5800  }
0x113: {  	[spmem:s2] =	stream.indirect.scatter.add.f32 [tilespmem:s30], [sflag:$0x1], $0x1, s31, s11, $0xb8;
	[tilespmem:$0xF278] =	vst v63  }
0x114: {  	_ =	swait.ge [sflag:s15], $0x80  }
0x115: {  	[sflag:s15] =	ssyncset.done $0x0  }
0x116: {  	[sflag:s15] =	ssyncadd.s32 $0xFFFFFF80  }
0x117: {  	_ =	swait.ge [sflag:s15], $0x80  }
0x118: {  	[sflag:s15] =	ssyncset.done $0x0  }
0x119: {  	[sflag:s15] =	ssyncadd.s32 $0xFFFFFF80  }
0x11a: {  	_ =	swait.ge [sflag:s15], $0x80  }
0x11b: {  	[sflag:s15] =	ssyncset.done $0x0  }
0x11c: {  	[sflag:s15] =	ssyncadd.s32 $0xFFFFFF80  }
0x11d: {  	_ =	swait.ge [sflag:s15], $0x80  }
0x11e: {  	[sflag:s15] =	ssyncset.done $0x0  }
0x11f: {  	[sflag:s15] =	ssyncadd.s32 $0xFFFFFF80  }
0x120: {  	_ =	swait.ge [sflag:s15], $0x80  }
0x121: {  	[sflag:s15] =	ssyncset.done $0x0  }
0x122: {  	[sflag:s15] =	ssyncadd.s32 $0xFFFFFF80  }
0x123: {  	_ =	swait.ge [sflag:s15], $0x80  }
0x124: {  	[sflag:s15] =	ssyncset.done $0x0  }
0x125: {  	[sflag:s15] =	ssyncadd.s32 $0xFFFFFF80  }
0x126: {  	_ =	swait.ge [sflag:s15], $0x80  }
0x127: {  	[sflag:s15] =	ssyncset.done $0x0  }
0x128: {  	[sflag:s15] =	ssyncadd.s32 $0xFFFFFF80  }
0x129: {  	s18 =	simm.s32 $0xA480;
	_ =	swait.ge [sflag:s15], $0x80  }
0x12a: {  	s22 =	simm.s32 $0x4000;
	s21 =	simm.s32 $0x800;
	[sflag:s15] =	ssyncset.done $0x0  }
.LBB2_10:
0x12b: {  	s23 =	sadd.s32 $0x5100, s21  }
0x12c: {  	[sflag:s15] =	ssyncadd.s32 $0xFFFFFF80;
	s20 =	smov.u32 s22;
	s19 =	sadd.s32 $0x2000, s22  }
0x12d: {  	[spmem:s2] =	stream.indirect.scatter.add.f32 [tilespmem:s18], [sflag:$0x1], $0x1, s23, s11, $0xb8;
	[tilespmem:$0xF278] =	vst v63  }
0x12e: {  	p1 =	sne.s32 s22, $0x12000;
	s22 =	sadd.s32 $0x80, s18;
	s23 =	sadd.s32 $0x5200, s21  }
0x12f: {  	[spmem:s2] =	stream.indirect.scatter.add.f32 [tilespmem:s22], [sflag:$0x1], $0x1, s23, s11, $0xb8;
	[tilespmem:$0xF278] =	vst v63  }
0x130: {  	s22 =	sadd.s32 $0x100, s18;
	s23 =	sadd.s32 $0x5300, s21  }
0x131: {  	[spmem:s2] =	stream.indirect.scatter.add.f32 [tilespmem:s22], [sflag:$0x1], $0x1, s23, s11, $0xb8;
	[tilespmem:$0xF278] =	vst v63  }
0x132: {  	s22 =	sadd.s32 $0x180, s18;
	s23 =	sadd.s32 $0x5400, s21  }
0x133: {  	[spmem:s2] =	stream.indirect.scatter.add.f32 [tilespmem:s22], [sflag:$0x1], $0x1, s23, s11, $0xb8;
	[tilespmem:$0xF278] =	vst v63  }
0x134: {  	s22 =	sadd.s32 $0x200, s18;
	s23 =	sadd.s32 $0x5500, s21  }
0x135: {  	[spmem:s2] =	stream.indirect.scatter.add.f32 [tilespmem:s22], [sflag:$0x1], $0x1, s23, s11, $0xb8;
	[tilespmem:$0xF278] =	vst v63  }
0x136: {  	s22 =	sadd.s32 $0x280, s18;
	s23 =	sadd.s32 $0x5600, s21  }
0x137: {  	[spmem:s2] =	stream.indirect.scatter.add.f32 [tilespmem:s22], [sflag:$0x1], $0x1, s23, s11, $0xb8;
	[tilespmem:$0xF278] =	vst v63  }
0x138: {  	s22 =	sadd.s32 $0x300, s18;
	s23 =	sadd.s32 $0x5700, s21  }
0x139: {  	[spmem:s2] =	stream.indirect.scatter.add.f32 [tilespmem:s22], [sflag:$0x1], $0x1, s23, s11, $0xb8;
	[tilespmem:$0xF278] =	vst v63  }
0x13a: {  	s21 =	sadd.s32 $0x5800, s21;
	s22 =	sadd.s32 $0x380, s18  }
0x13b: {  	[spmem:s2] =	stream.indirect.scatter.add.f32 [tilespmem:s22], [sflag:$0x1], $0x1, s21, s11, $0xb8;
	[tilespmem:$0xF278] =	vst v63  }
0x13c: {  	_ =	swait.ge [sflag:s15], $0x80  }
0x13d: {  	[sflag:s15] =	ssyncset.done $0x0  }
0x13e: {  	[sflag:s15] =	ssyncadd.s32 $0xFFFFFF80  }
0x13f: {  	_ =	swait.ge [sflag:s15], $0x80  }
0x140: {  	[sflag:s15] =	ssyncset.done $0x0  }
0x141: {  	[sflag:s15] =	ssyncadd.s32 $0xFFFFFF80  }
0x142: {  	_ =	swait.ge [sflag:s15], $0x80  }
0x143: {  	[sflag:s15] =	ssyncset.done $0x0  }
0x144: {  	[sflag:s15] =	ssyncadd.s32 $0xFFFFFF80  }
0x145: {  	_ =	swait.ge [sflag:s15], $0x80  }
0x146: {  	[sflag:s15] =	ssyncset.done $0x0  }
0x147: {  	[sflag:s15] =	ssyncadd.s32 $0xFFFFFF80  }
0x148: {  	_ =	swait.ge [sflag:s15], $0x80  }
0x149: {  	[sflag:s15] =	ssyncset.done $0x0  }
0x14a: {  	[sflag:s15] =	ssyncadd.s32 $0xFFFFFF80  }
0x14b: {  	_ =	swait.ge [sflag:s15], $0x80  }
0x14c: {  	[sflag:s15] =	ssyncset.done $0x0  }
0x14d: {  	[sflag:s15] =	ssyncadd.s32 $0xFFFFFF80  }
.Ltmp4:
0x14e: {  	_ =	swait.ge [sflag:s15], $0x80;
	(pc) =	sbr.rel @p1 .LBB2_10-.Ltmp4, $4  }
0x14f: {  	[sflag:s15] =	ssyncset.done $0x0  }
0x150: {  	[sflag:s15] =	ssyncadd.s32 $0xFFFFFF80  }
0x151: {  	s18 =	sadd.s32 $0x400, s18;
	_ =	swait.ge [sflag:s15], $0x80  }
0x152: {  	s21 =	sshra.s32 s20, $0x2;
	s22 =	smov.u32 s19;
	[sflag:s15] =	ssyncset.done $0x0  }
0x153: {  	s19 =	sadd.s32 $0x5100, s21;
	[sflag:s15] =	ssyncadd.s32 $0xFFFFFF80  }
0x154: {  	[spmem:s2] =	stream.indirect.scatter.add.f32 [tilespmem:s18], [sflag:$0x1], $0x1, s19, s11, $0xb8;
	[tilespmem:$0xF278] =	vst v63  }
0x155: {  	s29 =	sadd.s32 $0x80, s18;
	s20 =	sadd.s32 $0x5200, s21  }
0x156: {  	[spmem:s2] =	stream.indirect.scatter.add.f32 [tilespmem:s29], [sflag:$0x1], $0x1, s20, s11, $0xb8;
	[tilespmem:$0xF278] =	vst v63  }
0x157: {  	s30 =	sadd.s32 $0x100, s18;
	s31 =	sadd.s32 $0x5300, s21  }
0x158: {  	[spmem:s2] =	stream.indirect.scatter.add.f32 [tilespmem:s30], [sflag:$0x1], $0x1, s31, s11, $0xb8;
	[tilespmem:$0xF278] =	vst v63  }
0x159: {  	s22 =	sadd.s32 $0x5400, s21;
	s20 =	sadd.s32 $0x180, s18  }
0x15a: {  	[spmem:s2] =	stream.indirect.scatter.add.f32 [tilespmem:s20], [sflag:$0x1], $0x1, s22, s11, $0xb8;
	[tilespmem:$0xF278] =	vst v63  }
0x15b: {  	s23 =	sadd.s32 $0x200, s18;
	s24 =	sadd.s32 $0x5500, s21  }
0x15c: {  	[spmem:s2] =	stream.indirect.scatter.add.f32 [tilespmem:s23], [sflag:$0x1], $0x1, s24, s11, $0xb8;
	[tilespmem:$0xF278] =	vst v63  }
0x15d: {  	s25 =	sadd.s32 $0x280, s18;
	s26 =	sadd.s32 $0x5600, s21  }
0x15e: {  	[spmem:s2] =	stream.indirect.scatter.add.f32 [tilespmem:s25], [sflag:$0x1], $0x1, s26, s11, $0xb8;
	[tilespmem:$0xF278] =	vst v63  }
0x15f: {  	s28 =	sadd.s32 $0x300, s18;
	s29 =	sadd.s32 $0x5700, s21  }
0x160: {  	[spmem:s2] =	stream.indirect.scatter.add.f32 [tilespmem:s28], [sflag:$0x1], $0x1, s29, s11, $0xb8;
	[tilespmem:$0xF278] =	vst v63  }
0x161: {  	s30 =	sadd.s32 $0x380, s18;
	s31 =	sadd.s32 $0x5800, s21  }
0x162: {  	[spmem:s2] =	stream.indirect.scatter.add.f32 [tilespmem:s30], [sflag:$0x1], $0x1, s31, s11, $0xb8;
	[tilespmem:$0xF278] =	vst v63  }
0x163: {  	_ =	swait.ge [sflag:s15], $0x80  }
0x164: {  	[sflag:s15] =	ssyncset.done $0x0  }
0x165: {  	[sflag:s15] =	ssyncadd.s32 $0xFFFFFF80  }
0x166: {  	_ =	swait.ge [sflag:s15], $0x80  }
0x167: {  	[sflag:s15] =	ssyncset.done $0x0  }
0x168: {  	[sflag:s15] =	ssyncadd.s32 $0xFFFFFF80  }
0x169: {  	_ =	swait.ge [sflag:s15], $0x80  }
0x16a: {  	[sflag:s15] =	ssyncset.done $0x0  }
0x16b: {  	[sflag:s15] =	ssyncadd.s32 $0xFFFFFF80  }
0x16c: {  	_ =	swait.ge [sflag:s15], $0x80  }
0x16d: {  	[sflag:s15] =	ssyncset.done $0x0  }
0x16e: {  	[sflag:s15] =	ssyncadd.s32 $0xFFFFFF80  }
0x16f: {  	_ =	swait.ge [sflag:s15], $0x80  }
0x170: {  	[sflag:s15] =	ssyncset.done $0x0  }
0x171: {  	[sflag:s15] =	ssyncadd.s32 $0xFFFFFF80  }
0x172: {  	_ =	swait.ge [sflag:s15], $0x80  }
0x173: {  	[sflag:s15] =	ssyncset.done $0x0  }
0x174: {  	[sflag:s15] =	ssyncadd.s32 $0xFFFFFF80  }
0x175: {  	_ =	swait.ge [sflag:s15], $0x80  }
0x176: {  	[sflag:s15] =	ssyncset.done $0x0  }
0x177: {  	[sflag:s15] =	ssyncadd.s32 $0xFFFFFF80  }
0x178: {  	_ =	swait.ge [sflag:s15], $0x80  }
0x179: {  	[sflag:s15] =	ssyncset.done $0x0  }
0x17a: {  	[sflag:s15] =	ssyncadd.s32 $0xFFFFFF80  }
0x17b: {  	s19 =	simm.s32 @!p0 $0x2;
	s18 =	simm.s32 @!p0 $0xC880;
	[bflag:$0x0] =	sbarrier.arrive $0xFFFF  }
0x17c: {  	[tilespmem:s18], [sflag:$0x2] =	stream.linear.gather @!p0 [spmem:s2], $0x2780, $0x38;
	[tilespmem:$0xF278] =	vst v63  }
0x17d: {  	s17 =	sadd.s32 $0x1, s17;
	_ =	swait.ge @!p0 [sflag:s19], $0x2780  }
0x17e: {  	p1 =	sne.s32 s17, s8;
	[sflag:s19] =	ssyncset.done @!p0 $0x0  }
.Ltmp5:
0x17f: {  	s20 =	simm.s32 @!p0 $0x0;
	[sflag:s19] =	ssyncadd.s32 @!p0 $0xFFFFD880;
	(pc) =	sbr.rel @p1 .LBB2_1-.Ltmp5, $4  }
0x180: {  	[hbm4b:s9+s20] =	stream.linear.scatter @!p0 [tilespmem:s18], [sflag:$0x2], $0x2780, $0x38;
	[tilespmem:$0xF278] =	vst v63  }
0x181: {  	_ =	swait.ge @!p0 [sflag:s19], $0x2780  }
0x182: {  	[sflag:s19] =	ssyncset.done @!p0 $0x0  }
0x183: {  	[sflag:s19] =	ssyncadd.s32 @!p0 $0xFFFFD880  }
0x184: {  	_ =	sfence.sel $0x180000  }
0x185: {  	[bflag:$0x0] =	sbarrier.arrive $0xFFFF  }
0x186: {  	_ =	strace $0x90000047  }
0x187: {  	s0 =	sadd.s32 @!p0 $0x100000, s1;
	[bflag:$0x2] =	sbarrier.arrive $0xFFFF  }
0x188: {  	[sflag:s0] =	ssyncadd.tile.s32 @!p0 $0x1;
	_ =	shalt  }
.Lfunc_end2:
_tile_overlayer_lowered:
.L_overlay_start_2:
0x189: {  	(tag) =	ssettag $0x2  }
0x18a: {  	s0 =	rddreg [dreg:$0x0];
	s2 =	stileid.u32  }
0x18b: {  	s1 =	rddreg [dreg:$0x1];
	p0 =	sne.s32 s2, $0x0  }
0x18c: {  	s3 =	rddreg [dreg:$0x2];
	[bflag:$0x3] =	sbarrier.arrive $0xFFFF;
	s2 =	simm.s32 @!p0 $0x1C02  }
0x18d: {  	[timem:s3], [sflag:s2] =	dma.local @!p0 [hbm:s0], s1  }
0x18e: {  	s0 =	simm.s32 @!p0 $0x2  }
0x18f: {  	_ =	swait.ge @!p0 [sflag:s0], s1  }
0x190: {  	s1 =	ssub.s32 @!p0 $0x0, s1;
	[sflag:s0] =	ssyncset.done @!p0 $0x0  }
0x191: {  	[sflag:s0] =	ssyncadd.s32 @!p0 s1  }
0x192: {  	[bflag:$0x3] =	sbarrier.arrive $0xFFFF  }
0x193: {  	_ =	shalt  }

// kernel: kernel.9.cloned.1.call-start
scs
__scs_entry_jumppad:
0x0: {  	(pc) =	sbr.rel $0x88, $3  }
0x1: {  	(tag) =	ssettag $0x0;
	lr =	simm.s32 $0x1  }
0x2: {  	[smem:$0x3F9B] =	sst lr;
	_ =	strace $0xD0000000  }
0x3: {  	_ = 	snop  }
0x4: {  	_ = 	snop  }
0x5: {  	_ = 	snop  }
0x6: {  	_ = 	snop  }
0x7: {  	_ = 	snop  }
__scs_overlays_trampoline_lowered:
0x8: {  	[smem:$0x3FAA] =	sst s0  }
0x9: {  	[smem:$0x3FAB] =	sst s1  }
0xa: {  	[smem:$0x3FAC] =	sst s2  }
0xb: {  	[smem:$0x3FAD] =	sst s3  }
0xc: {  	[smem:$0x3FAE] =	sst s4  }
0xd: {  	[smem:$0x3FAF] =	sst s5  }
0xe: {  	[smem:$0x3FB0] =	sst s6  }
0xf: {  	[smem:$0x3FB1] =	sst s7  }
0x10: {  	[smem:$0x3FB2] =	sst s8  }
0x11: {  	[smem:$0x3FB3] =	sst s9;
	s0 =	simm.s32 @!p0 $0x0  }
0x12: {  	s1 =	sld [smem:$0x3F99];
	s0 =	simm.s32 @p0 $0x1  }
0x13: {  	[smem:$0x3FB4] =	sst s0;
	s0 =	simm.s32 @!p1 $0x0  }
0x14: {  	s2 =	sld [smem:$0x3F98];
	s0 =	simm.s32 @p1 $0x1  }
0x15: {  	[smem:$0x3FB5] =	sst s0;
	s0 =	simm.s32 @!p2 $0x0  }
0x16: {  	s3 =	sld [smem:$0x3FDB];
	s0 =	simm.s32 @p2 $0x1  }
0x17: {  	s4 =	simm.s32 $0x1BF5;
	[smem:$0x3FB7] =	sst s0  }
0x18: {  	s0 =	sld [smem:$0x3F9A];
	_ =	swait.ge [sflag:s4], $0x0  }
0x19: {  	s7 =	sld [smem:$0x3F9B]  }
0x1a: {  	s8 =	sadd.s32 $0xFFFFE003, lr  }
0x1b: {  	s9 =	sadd.s32 $0xFFFFFEF7, lr;
	s5 =	simm.s32 $0xFFFFFFFF;
	p2 =	slt.u32 s8, $0xFFFFF086  }
0x1c: {  	p1 =	slt.u32 s9, $0xF7A;
	s5 =	simm.s32 @!p2 $0x0  }
0x1d: {  	s5 =	simm.s32 @p1 $0x1;
	p0 =	seq.s32 s7, s2  }
0x1e: {  	s7 =	smul.u32 @!p0 $0xF7A, s2;
	p2 =	seq.s32 @!p0 s5, $0x0  }
0x1f: {  	s9 =	smul.u32 $0xF7A, s1;
	s8 =	simm.s32 @!p0 $0x1BF5;
	p2 =	por !p2, p0  }
0x20: {  	[sflag:s8] =	ssyncset.s32 @!p0 $0xFFFFF086;
	s6 =	sadd.s32 @!p0 s3, s7;
	s7 =	simm.s32 @!p0 $0x108  }
0x21: {  	s3 =	sadd.s32 s3, s9;
	s6 =	sadd.s32 @!p0 $0x88, s6;
	s7 =	simm.s32 @p2 $0x1082  }
0x22: {  	[simem:s7], [sflag:s8] =	dma.local @!p0 [hbm:s6], $0xF7A  }
0x23: {  	s9 =	sor.u32 $0xD0000000, s2;
	s6 =	simm.s32 $0x108;
	_ =	swait.ge @!p0 [sflag:s8], $0x0  }
0x24: {  	s3 =	sadd.s32 $0x88, s3;
	s6 =	simm.s32 @!p1 $0x1082;
	[sflag:s4] =	ssyncset.s32 $0xFFFFF086  }
0x25: {  	[simem:s6], [sflag:s4] =	dma.local [hbm:s3], $0xF7A  }
0x26: {  	[smem:$0x3F9B] =	sst s1;
	(tag) =	ssettag s2;
	_ =	strace s9  }
0x27: {  	s1 =	sld [smem:$0x3FAB]  }
0x28: {  	s2 =	sld [smem:$0x3FAC]  }
0x29: {  	s4 =	sld [smem:$0x3FAE]  }
0x2a: {  	p0 =	seq.s32 s5, $0x0;
	s5 =	sld [smem:$0x3FAF]  }
0x2b: {  	s6 =	sld [smem:$0x3FB0]  }
0x2c: {  	s7 =	sld [smem:$0x3FB1]  }
0x2d: {  	s3 =	simm.s32 $0x108;
	s8 =	sld [smem:$0x3FB2]  }
0x2e: {  	s3 =	simm.s32 @!p0 $0x1082;
	s9 =	sld [smem:$0x3FB3]  }
0x2f: {  	lr =	sadd.s32 s0, s3;
	s0 =	sld [smem:$0x3FAA]  }
0x30: {  	s3 =	sld [smem:$0x3FAD]  }
0x31: {  	[smem:$0x3FB6] =	sst s10  }
0x32: {  	s10 =	sld [smem:$0x3FB4];
	_ =	sdelay $0x3  }
0x33: {  	p0 =	seq.s32 s10, $0x1;
	s10 =	sld [smem:$0x3FB6];
	_ =	sdelay $0x3  }
0x34: {  	[smem:$0x3FB6] =	sst s10  }
0x35: {  	s10 =	sld [smem:$0x3FB5];
	_ =	sdelay $0x3  }
0x36: {  	p1 =	seq.s32 s10, $0x1;
	s10 =	sld [smem:$0x3FB6];
	_ =	sdelay $0x3  }
0x37: {  	[smem:$0x3FB6] =	sst s10  }
0x38: {  	s10 =	sld [smem:$0x3FB7]  }
0x39: {  	_ = 	snop;
	(pc) =	sbr.ind lr, $3  }
0x3a: {  	_ = 	snop  }
0x3b: {  	_ = 	snop  }
0x3c: {  	p2 =	seq.s32 s10, $0x1;
	s10 =	sld [smem:$0x3FB6]  }
0x3d: {  	_ =	shalt  }
0x3e: {  	_ =	shalt  }
0x3f: {  	_ =	shalt  }
0x40: {  	_ =	shalt  }
0x41: {  	_ =	shalt  }
0x42: {  	_ =	shalt  }
0x43: {  	_ =	shalt  }
0x44: {  	_ =	shalt  }
0x45: {  	_ =	shalt  }
0x46: {  	_ =	shalt  }
0x47: {  	_ =	shalt  }
0x48: {  	_ =	shalt  }
0x49: {  	_ =	shalt  }
0x4a: {  	_ =	shalt  }
0x4b: {  	_ =	shalt  }
0x4c: {  	_ =	shalt  }
0x4d: {  	_ =	shalt  }
0x4e: {  	_ =	shalt  }
0x4f: {  	_ =	shalt  }
0x50: {  	_ =	shalt  }
0x51: {  	_ =	shalt  }
0x52: {  	_ =	shalt  }
0x53: {  	_ =	shalt  }
0x54: {  	_ =	shalt  }
0x55: {  	_ =	shalt  }
0x56: {  	_ =	shalt  }
0x57: {  	_ =	shalt  }
0x58: {  	_ =	shalt  }
0x59: {  	_ =	shalt  }
0x5a: {  	_ =	shalt  }
0x5b: {  	_ =	shalt  }
0x5c: {  	_ =	shalt  }
0x5d: {  	_ =	shalt  }
0x5e: {  	_ =	shalt  }
0x5f: {  	_ =	shalt  }
0x60: {  	_ =	shalt  }
0x61: {  	_ =	shalt  }
0x62: {  	_ =	shalt  }
0x63: {  	_ =	shalt  }
0x64: {  	_ =	shalt  }
0x65: {  	_ =	shalt  }
0x66: {  	_ =	shalt  }
0x67: {  	_ =	shalt  }
0x68: {  	_ =	shalt  }
0x69: {  	_ =	shalt  }
0x6a: {  	_ =	shalt  }
0x6b: {  	_ =	shalt  }
0x6c: {  	_ =	shalt  }
0x6d: {  	_ =	shalt  }
0x6e: {  	_ =	shalt  }
0x6f: {  	_ =	shalt  }
0x70: {  	_ =	shalt  }
0x71: {  	_ =	shalt  }
0x72: {  	_ =	shalt  }
0x73: {  	_ =	shalt  }
0x74: {  	_ =	shalt  }
0x75: {  	_ =	shalt  }
0x76: {  	_ =	shalt  }
0x77: {  	_ =	shalt  }
0x78: {  	_ =	shalt  }
0x79: {  	_ =	shalt  }
0x7a: {  	_ =	shalt  }
0x7b: {  	_ =	shalt  }
0x7c: {  	_ =	shalt  }
0x7d: {  	_ =	shalt  }
0x7e: {  	_ =	shalt  }
0x7f: {  	_ =	shalt  }
0x80: {  	_ =	shalt  }
0x81: {  	_ =	shalt  }
0x82: {  	_ =	shalt  }
0x83: {  	_ =	shalt  }
0x84: {  	_ =	shalt  }
0x85: {  	_ =	shalt  }
0x86: {  	_ =	shalt  }
0x87: {  	_ =	shalt  }
.Lfunc_end0:
.L_simem_size_0:
called_computation.1_lowered:
.L_overlay_start_0:
0x88: {  	s2 =	sld [smem:$0x3FD9]  }
0x89: {  	s3 =	sld [smem:$0x3FFE];
	_ =	sdelay $0x1  }
0x8a: {  	s1 =	srdreg.scid  }
0x8b: {  	s0 =	sand.u32 $0x1, s1  }
0x8c: {  	s17 =	sshll.u32 s0, $0xA;
	s2 =	sadd.s32 s3, s2  }
0x8d: {  	s2 =	sadd.s32 s2, s17  }
0x8e: {  	[smem:$0x3FC2] =	sst s2  }
0x8f: {  	_ = 	snop  }
0x90: {  	s2 =	sld [smem:$0x3FD0];
	(tm) =	ssettm $0x1  }
0x91: {  	s18 =	sld [smem:$0x3FFB];
	_ =	sdelay $0x3  }
0x92: {  	_ =	strace s18  }
0x93: {  	s3 =	sld [smem:$0x3FFC];
	_ =	sdelay $0x3  }
0x94: {  	_ =	strace s3  }
0x95: {  	s3 =	sld [smem:$0x3FFD];
	_ =	sdelay $0x3  }
0x96: {  	_ =	strace s3  }
0x97: {  	_ =	strace $0x8FFFFFFF  }
0x98: {  	s19 =	sld [smem:$0x3FDB];
	_ =	sdelay $0x1  }
0x99: {  	s4 =	simm.s32 $_scs_section_size  }
0x9a: {  	s5 =	simm.s32 $_size__tile_overlayer_lowered;
	s6 =	simm.s32 $_tile_overlayer_lowered  }
0x9b: {  	s22 =	simm.s32 $0x1BFF;
	s21 =	sshll.u32 s6, $0x1;
	s3 =	sadd.s32 s4, s19  }
0x9c: {  	s7 =	simm.s32 $0x0;
	s20 =	sshll.u32 s5, $0x1;
	s5 =	sadd.s32 s21, s3  }
0x9d: {  	[timem:s7], [sflag:s22] =	dma.local [hbm:s5], s20  }
0x9e: {  	_ =	swait.ge [sflag:s22], s20  }
0x9f: {  	s4 =	ssub.s32 $0x0, s20;
	[sflag:s22] =	ssyncset.done $0x0  }
0xa0: {  	[sflag:s22] =	ssyncadd.s32 s4;
	_ =	sdelay $0x1  }
0xa1: {  	s23 =	simm.s32 $0x1B8B  }
0xa2: {  	_ =	swait.ge [sflag:s23], $0x1  }
0xa3: {  	[sflag:s23] =	ssyncset.done $0x0  }
0xa4: {  	s25 =	simm.s32 $0x1B8E;
	s24 =	sld [smem:$0x3FFE];
	[sflag:s23] =	ssyncadd.s32 $0xFFFFFFFF  }
0xa5: {  	s26 =	simm.s32 $execute0_lowered;
	[smem:$0x3FD2] =	sst s25  }
0xa6: {  	s5 =	sshll.u32 s26, $0x1;
	_ =	strace $0x80000049;
	[dreg:$0x1] =	wrdreg $0xFFFFFFFF  }
0xa7: {  	s28 =	simm.s32 $_size_execute0_lowered;
	s3 =	sadd.s32 s3, s5;
	[dreg:$0x0] =	wrdreg $0x0  }
0xa8: {  	s5 =	sshll.u32 s28, $0x1;
	[dreg:$0x2] =	wrdreg s3  }
0xa9: {  	[dreg:$0x3] =	wrdreg s5  }
0xaa: {  	[dreg:$0x4] =	wrdreg $0xC0  }
0xab: {  	_ =	task [dreg:s7], $0x5FFFF  }
0xac: {  	[dreg:$0x1] =	wrdreg $0xFFFFFFFF  }
0xad: {  	[dreg:$0x0] =	wrdreg $0x60  }
0xae: {  	[dreg:$0x2] =	wrdreg s24  }
0xaf: {  	[dreg:$0x3] =	wrdreg s2  }
0xb0: {  	[dreg:$0x4] =	wrdreg $0xC3000  }
0xb1: {  	[dreg:$0x5] =	wrdreg $0x9  }
0xb2: {  	_ =	task.clear_ibuf [dreg:s7], $0x6FFFF;
	_ =	strace $0x90000049  }
0xb3: {  	s29 =	simm.s32 $0x9;
	_ =	strace $0x8000004B  }
0xb4: {  	_ =	swait.ge [sflag:s29], $0x1  }
0xb5: {  	[sflag:s29] =	ssyncadd.s32 $0xFFFFFFFF  }
0xb6: {  	_ =	strace $0x9000004B  }
0xb7: {  	_ =	sfence  }
0xb8: {  	s30 =	sld [smem:$0x0];
	_ =	sdelay $0x2  }
0xb9: {  	s31 =	sshll.u32 s1, $0xD;
	s1 =	sshrl.u32 s1, $0x2  }
0xba: {  	s3 =	sand.u32 $0x4000, s31;
	s1 =	sadd.s32 s1, s30  }
0xbb: {  	s0 =	sor.u32 s3, s0;
	s1 =	sshll.u32 s1, $0x11  }
0xbc: {  	s0 =	sor.u32 s1, s0  }
0xbd: {  	s0 =	sadd.s32 $0x8F2B, s0  }
0xbe: {  	[sflag:s0] =	ssyncadd.remote.s32 $0x1  }
0xbf: {  	_ =	sfence.sel $0xFFFF  }
0xc0: {  	[dreg:$0x0] =	wrdreg $0xFFFFFFFF;
	(pc) =	sbr.abs _section_cstart, $3  }
0xc1: {  	[dreg:$0x1] =	wrdreg $0xFFFFFFFF  }
0xc2: {  	_ =	task.clear_ibuf [dreg:s7], $0x2FFFF;
	_ =	strace $0x9FFFFFFF  }
0xc3: {  	(tm) =	ssettm $0x7FFFFFFF  }
tec
execute0_lowered:
.L_overlay_start_1:
0x0: {  	(tag) =	ssettag $0x1  }
0x1: {  	s0 =	rddreg [dreg:$0x0]  }
0x2: {  	s2 =	rddreg [dreg:$0x1]  }
0x3: {  	s1 =	rddreg [dreg:$0x2];
	s3 =	simm.s32 $0x0  }
0x4: {  	s4 =	srdreg.scid;
	s16 =	simm.s32 $0x7;
	s17 =	simm.s32 $0x80  }
0x5: {  	s18 =	simm.s32 $0x300;
	s19 =	simm.s32 $0x100;
	s20 =	simm.s32 $0x4300  }
0x6: {  	s21 =	simm.s32 $0x1;
	s22 =	simm.s32 $0x200;
	s28 =	simm.s32 $0x3  }
0x7: {  	s29 =	simm.s32 $0x280;
	s30 =	simm.s32 $0x5;
	s11 =	sand.u32 $0x1, s4  }
0x8: {  	s31 =	simm.s32 $0x6;
	s4 =	stileid.u32;
	s6 =	smul.u32 $0x138800, s11  }
0x9: {  	[smem:$0x7FF] =	sst s3;
	s5 =	sadd.s32 $0x299A00, s0;
	s7 =	smul.u32 $0x1F400, s4  }
0xa: {  	_ =	strace $0x8000004A;
	[dreg:$0x4] =	wrdreg s5;
	s24 =	smul.u32 $0x7D000, s4  }
0xb: {  	s5 =	sadd.s32 $0x1800, s0;
	s8 =	sshll.u32 s4, $0x1;
	s26 =	smul.u32 $0x1400, s4  }
0xc: {  	s9 =	ssub.s32 $0x2, s11;
	s13 =	smul.u32 $0xA00, s11;
	p0 =	sgt.u32 s4, $0x9  }
0xd: {  	s23 =	sor.u32 s11, s8;
	s25 =	sshrl.u32 s9, $0x1;
	s6 =	sadd.s32 s7, s6  }
0xe: {  	s7 =	smul.u32 $0xA00, s23;
	s8 =	sshrl.u32 s24, $0x2;
	s9 =	ssub.s32 s9, s25  }
0xf: {  	s23 =	simm.s32 $0x8300;
	s24 =	simm.s32 $0x2;
	s25 =	simm.s32 $0x180  }
0x10: {  	s6 =	sshrl.u32 s6, $0x3;
	s15 =	sadd.s32 s8, s1;
	s9 =	smax.u32 s9, $0x1  }
0x11: {  	s0 =	sadd.s32 s6, s0;
	s6 =	sadd.s32 s2, s7;
	s15 =	sshrl.u32 @!p0 s15, $0x3  }
0x12: {  	s7 =	sadd.s32 $0x20, s6;
	s8 =	sadd.s32 $0x29DA00, s0;
	s10 =	sadd.s32 $0x40, s6  }
0x13: {  	s11 =	sadd.s32 $0x60, s6;
	s0 =	sadd.s32 s26, s2;
	s12 =	sadd.s32 $0x80, s6  }
0x14: {  	s26 =	simm.s32 $0x4;
	s13 =	sadd.s32 s13, s0;
	s0 =	sshll.u32 @!p0 s4, $0x6  }
0x15: {  	[dreg:$0x5] =	wrdreg s7;
	s14 =	sor.u32 @!p0 $0x1C07, s0;
	s0 =	simm.s32 $0x0  }
.LBB2_1:
0x16: {  	s2 =	rddreg [dreg:$0x4]  }
0x17: {  	[spmem:s15], [sflag:s14] =	dma.local @!p0 [hbm:s2], $0x3E80  }
0x18: {  	s2 =	simm.s32 @!p0 $0x7  }
0x19: {  	_ =	swait.ge @!p0 [sflag:s2], $0x3E80  }
0x1a: {  	[sflag:s2] =	ssyncset.done @!p0 $0x0  }
0x1b: {  	[sflag:s2] =	ssyncadd.s32 @!p0 $0xFFFFC180  }
0x1c: {  	[bflag:$0x0] =	sbarrier.arrive $0xFFFF  }
0x1d: {  	[tilespmem:s3], [sflag:$0x7] =	stream.linear.gather [hbm4b:s6+s3], $0x100, $0x38;
	[tilespmem:$0x1FB80] =	vst v63  }
0x1e: {  	_ =	swait.ge [sflag:s16], $0x100  }
0x1f: {  	[sflag:s16] =	ssyncset.done $0x0  }
0x20: {  	[sflag:s16] =	ssyncadd.s32 $0xFFFFFF00  }
0x21: {  	[tilespmem:s18], [sflag:$0x1] =	stream.indirect.gather [hbm4b:s5+s17], $0x80, s3, s17, $0xb8;
	[tilespmem:$0x1FB80] =	vst v63  }
0x22: {  	s4 =	rddreg [dreg:$0x5]  }
0x23: {  	[tilespmem:s19], [sflag:$0x7] =	stream.linear.gather [hbm4b:s4+s3], $0x100, $0x38;
	[tilespmem:$0x1FB80] =	vst v63  }
0x24: {  	_ =	swait.ge [sflag:s16], $0x100  }
0x25: {  	[sflag:s16] =	ssyncset.done $0x0  }
0x26: {  	[sflag:s16] =	ssyncadd.s32 $0xFFFFFF00  }
0x27: {  	[tilespmem:s20], [sflag:$0x2] =	stream.indirect.gather [hbm4b:s5+s17], $0x80, s19, s17, $0xb8;
	[tilespmem:$0x1FB80] =	vst v63  }
0x28: {  	_ =	swait.ge [sflag:s21], $0x4000  }
0x29: {  	[sflag:s21] =	ssyncset.done $0x0  }
0x2a: {  	[sflag:s21] =	ssyncadd.s32 $0xFFFFC000  }
0x2b: {  	[spmem:s1] =	stream.indirect.scatter.add.f32 [tilespmem:s18], [sflag:$0x4], $0x80, s17, s17, $0xb8;
	[tilespmem:$0x1FB80] =	vst v63  }
0x2c: {  	_ = 	snop  }
0x2d: {  	[tilespmem:s22], [sflag:$0x7] =	stream.linear.gather [hbm4b:s10+s3], $0x100, $0x38;
	[tilespmem:$0x1FB80] =	vst v63  }
0x2e: {  	_ =	swait.ge [sflag:s16], $0x100  }
0x2f: {  	[sflag:s16] =	ssyncset.done $0x0  }
0x30: {  	[sflag:s16] =	ssyncadd.s32 $0xFFFFFF00  }
0x31: {  	[tilespmem:s23], [sflag:$0x3] =	stream.indirect.gather [hbm4b:s5+s17], $0x80, s22, s17, $0xb8;
	[tilespmem:$0x1FB80] =	vst v63  }
0x32: {  	_ =	swait.ge [sflag:s24], $0x4000  }
0x33: {  	[sflag:s24] =	ssyncset.done $0x0  }
0x34: {  	[sflag:s24] =	ssyncadd.s32 $0xFFFFC000  }
0x35: {  	[spmem:s1] =	stream.indirect.scatter.add.f32 [tilespmem:s20], [sflag:$0x5], $0x80, s25, s17, $0xb8;
	[tilespmem:$0x1FB80] =	vst v63  }
0x36: {  	_ =	swait.ge [sflag:s26], $0x4000  }
0x37: {  	[sflag:s26] =	ssyncset.done $0x0  }
0x38: {  	[sflag:s26] =	ssyncadd.s32 $0xFFFFC000  }
0x39: {  	[tilespmem:s3], [sflag:$0x7] =	stream.linear.gather [hbm4b:s11+s3], $0x100, $0x38;
	[tilespmem:$0x1FB80] =	vst v63  }
0x3a: {  	_ =	swait.ge [sflag:s16], $0x100  }
0x3b: {  	[sflag:s16] =	ssyncset.done $0x0  }
0x3c: {  	[sflag:s16] =	ssyncadd.s32 $0xFFFFFF00  }
0x3d: {  	[tilespmem:s18], [sflag:$0x1] =	stream.indirect.gather [hbm4b:s5+s17], $0x80, s3, s17, $0xb8;
	[tilespmem:$0x1FB80] =	vst v63  }
0x3e: {  	_ =	swait.ge [sflag:s28], $0x4000  }
0x3f: {  	[sflag:s28] =	ssyncset.done $0x0  }
0x40: {  	[sflag:s28] =	ssyncadd.s32 $0xFFFFC000  }
0x41: {  	[spmem:s1] =	stream.indirect.scatter.add.f32 [tilespmem:s23], [sflag:$0x6], $0x80, s29, s17, $0xb8;
	[tilespmem:$0x1FB80] =	vst v63  }
0x42: {  	_ =	swait.ge [sflag:s30], $0x4000  }
0x43: {  	[sflag:s30] =	ssyncset.done $0x0  }
0x44: {  	[sflag:s30] =	ssyncadd.s32 $0xFFFFC000  }
0x45: {  	[tilespmem:s19], [sflag:$0x7] =	stream.linear.gather [hbm4b:s12+s3], $0x100, $0x38;
	[tilespmem:$0x1FB80] =	vst v63  }
0x46: {  	_ =	swait.ge [sflag:s16], $0x100  }
0x47: {  	[sflag:s16] =	ssyncset.done $0x0  }
0x48: {  	[sflag:s16] =	ssyncadd.s32 $0xFFFFFF00  }
0x49: {  	[tilespmem:s20], [sflag:$0x2] =	stream.indirect.gather [hbm4b:s5+s17], $0x80, s19, s17, $0xb8;
	[tilespmem:$0x1FB80] =	vst v63  }
0x4a: {  	_ =	swait.ge [sflag:s21], $0x4000  }
0x4b: {  	[sflag:s21] =	ssyncset.done $0x0  }
0x4c: {  	[sflag:s21] =	ssyncadd.s32 $0xFFFFC000  }
0x4d: {  	[spmem:s1] =	stream.indirect.scatter.add.f32 [tilespmem:s18], [sflag:$0x4], $0x80, s17, s17, $0xb8;
	[tilespmem:$0x1FB80] =	vst v63  }
0x4e: {  	_ =	swait.ge [sflag:s31], $0x4000  }
0x4f: {  	s2 =	sadd.s32 $0xFFFFF6A0, s13;
	[sflag:s31] =	ssyncset.done $0x0  }
0x50: {  	s4 =	sadd.s32 $0xA00, s2;
	[sflag:s31] =	ssyncadd.s32 $0xFFFFC000  }
0x51: {  	[tilespmem:s22], [sflag:$0x7] =	stream.linear.gather [hbm4b:s4+s3], $0x100, $0x38;
	[tilespmem:$0x1FB80] =	vst v63  }
0x52: {  	_ =	swait.ge [sflag:s16], $0x100  }
0x53: {  	[sflag:s16] =	ssyncset.done $0x0  }
0x54: {  	[sflag:s16] =	ssyncadd.s32 $0xFFFFFF00  }
0x55: {  	[tilespmem:s23], [sflag:$0x3] =	stream.indirect.gather [hbm4b:s5+s17], $0x80, s22, s17, $0xb8;
	[tilespmem:$0x1FB80] =	vst v63  }
0x56: {  	_ =	swait.ge [sflag:s24], $0x4000  }
0x57: {  	[sflag:s24] =	ssyncset.done $0x0  }
0x58: {  	[sflag:s24] =	ssyncadd.s32 $0xFFFFC000  }
0x59: {  	[spmem:s1] =	stream.indirect.scatter.add.f32 [tilespmem:s20], [sflag:$0x5], $0x80, s25, s17, $0xb8;
	[tilespmem:$0x1FB80] =	vst v63  }
0x5a: {  	_ =	swait.ge [sflag:s26], $0x4000  }
0x5b: {  	[sflag:s26] =	ssyncset.done $0x0  }
0x5c: {  	s7 =	sadd.s32 $0xA20, s2;
	[sflag:s26] =	ssyncadd.s32 $0xFFFFC000  }
0x5d: {  	[tilespmem:s3], [sflag:$0x7] =	stream.linear.gather [hbm4b:s7+s3], $0x100, $0x38;
	[tilespmem:$0x1FB80] =	vst v63  }
0x5e: {  	_ =	swait.ge [sflag:s16], $0x100  }
0x5f: {  	[sflag:s16] =	ssyncset.done $0x0  }
0x60: {  	[sflag:s16] =	ssyncadd.s32 $0xFFFFFF00  }
0x61: {  	[tilespmem:s18], [sflag:$0x1] =	stream.indirect.gather [hbm4b:s5+s17], $0x80, s3, s17, $0xb8;
	[tilespmem:$0x1FB80] =	vst v63  }
0x62: {  	_ =	swait.ge [sflag:s28], $0x4000  }
0x63: {  	[sflag:s28] =	ssyncset.done $0x0  }
0x64: {  	[sflag:s28] =	ssyncadd.s32 $0xFFFFC000  }
0x65: {  	[spmem:s1] =	stream.indirect.scatter.add.f32 [tilespmem:s23], [sflag:$0x6], $0x80, s29, s17, $0xb8;
	[tilespmem:$0x1FB80] =	vst v63  }
0x66: {  	_ =	swait.ge [sflag:s30], $0x4000  }
0x67: {  	[sflag:s30] =	ssyncset.done $0x0  }
0x68: {  	s2 =	sadd.s32 $0xA40, s2;
	[sflag:s30] =	ssyncadd.s32 $0xFFFFC000  }
0x69: {  	[tilespmem:s19], [sflag:$0x7] =	stream.linear.gather [hbm4b:s2+s3], $0x100, $0x38;
	[tilespmem:$0x1FB80] =	vst v63  }
0x6a: {  	_ =	swait.ge [sflag:s16], $0x100  }
0x6b: {  	[sflag:s16] =	ssyncset.done $0x0  }
0x6c: {  	s2 =	simm.s32 $0xFFFFF700;
	[sflag:s16] =	ssyncadd.s32 $0xFFFFFF00  }
.LBB2_2:
0x6d: {  	[tilespmem:s20], [sflag:$0x2] =	stream.indirect.gather [hbm4b:s5+s17], $0x80, s19, s17, $0xb8;
	[tilespmem:$0x1FB80] =	vst v63  }
0x6e: {  	s4 =	smov.u32 s2  }
0x6f: {  	p1 =	sne.s32 s2, $0xFFFFFFA0;
	s2 =	sadd.s32 $0x60, s2;
	_ =	swait.ge [sflag:s21], $0x4000  }
0x70: {  	[sflag:s21] =	ssyncset.done $0x0  }
0x71: {  	[sflag:s21] =	ssyncadd.s32 $0xFFFFC000  }
0x72: {  	[spmem:s1] =	stream.indirect.scatter.add.f32 [tilespmem:s18], [sflag:$0x4], $0x80, s17, s17, $0xb8;
	[tilespmem:$0x1FB80] =	vst v63  }
0x73: {  	_ =	swait.ge [sflag:s31], $0x4000  }
0x74: {  	s4 =	sadd.s32 s4, s13;
	[sflag:s31] =	ssyncset.done $0x0  }
0x75: {  	s7 =	sadd.s32 $0xA00, s4;
	[sflag:s31] =	ssyncadd.s32 $0xFFFFC000  }
0x76: {  	[tilespmem:s22], [sflag:$0x7] =	stream.linear.gather [hbm4b:s7+s3], $0x100, $0x38;
	[tilespmem:$0x1FB80] =	vst v63  }
0x77: {  	_ =	swait.ge [sflag:s16], $0x100  }
0x78: {  	[sflag:s16] =	ssyncset.done $0x0  }
0x79: {  	[sflag:s16] =	ssyncadd.s32 $0xFFFFFF00  }
0x7a: {  	[tilespmem:s23], [sflag:$0x3] =	stream.indirect.gather [hbm4b:s5+s17], $0x80, s22, s17, $0xb8;
	[tilespmem:$0x1FB80] =	vst v63  }
0x7b: {  	_ =	swait.ge [sflag:s24], $0x4000  }
0x7c: {  	[sflag:s24] =	ssyncset.done $0x0  }
0x7d: {  	[sflag:s24] =	ssyncadd.s32 $0xFFFFC000  }
0x7e: {  	[spmem:s1] =	stream.indirect.scatter.add.f32 [tilespmem:s20], [sflag:$0x5], $0x80, s25, s17, $0xb8;
	[tilespmem:$0x1FB80] =	vst v63  }
0x7f: {  	_ =	swait.ge [sflag:s26], $0x4000  }
0x80: {  	[sflag:s26] =	ssyncset.done $0x0  }
0x81: {  	s7 =	sadd.s32 $0xA20, s4;
	[sflag:s26] =	ssyncadd.s32 $0xFFFFC000  }
0x82: {  	[tilespmem:s3], [sflag:$0x7] =	stream.linear.gather [hbm4b:s7+s3], $0x100, $0x38;
	[tilespmem:$0x1FB80] =	vst v63  }
0x83: {  	_ =	swait.ge [sflag:s16], $0x100  }
0x84: {  	[sflag:s16] =	ssyncset.done $0x0  }
0x85: {  	[sflag:s16] =	ssyncadd.s32 $0xFFFFFF00  }
0x86: {  	[tilespmem:s18], [sflag:$0x1] =	stream.indirect.gather [hbm4b:s5+s17], $0x80, s3, s17, $0xb8;
	[tilespmem:$0x1FB80] =	vst v63  }
0x87: {  	_ =	swait.ge [sflag:s28], $0x4000  }
0x88: {  	[sflag:s28] =	ssyncset.done $0x0  }
0x89: {  	[sflag:s28] =	ssyncadd.s32 $0xFFFFC000  }
0x8a: {  	[spmem:s1] =	stream.indirect.scatter.add.f32 [tilespmem:s23], [sflag:$0x6], $0x80, s29, s17, $0xb8;
	[tilespmem:$0x1FB80] =	vst v63  }
0x8b: {  	_ =	swait.ge [sflag:s30], $0x4000  }
0x8c: {  	[sflag:s30] =	ssyncset.done $0x0  }
.Ltmp0:
0x8d: {  	s4 =	sadd.s32 $0xA40, s4;
	[sflag:s30] =	ssyncadd.s32 $0xFFFFC000;
	(pc) =	sbr.rel @p1 .LBB2_2-.Ltmp0, $4  }
0x8e: {  	[tilespmem:s19], [sflag:$0x7] =	stream.linear.gather [hbm4b:s4+s3], $0x100, $0x38;
	[tilespmem:$0x1FB80] =	vst v63  }
0x8f: {  	_ =	swait.ge [sflag:s16], $0x100  }
0x90: {  	[sflag:s16] =	ssyncset.done $0x0  }
0x91: {  	[sflag:s16] =	ssyncadd.s32 $0xFFFFFF00  }
0x92: {  	[tilespmem:s20], [sflag:$0x2] =	stream.indirect.gather [hbm4b:s5+s17], $0x80, s19, s17, $0xb8;
	[tilespmem:$0x1FB80] =	vst v63  }
0x93: {  	_ =	swait.ge [sflag:s21], $0x4000  }
0x94: {  	[sflag:s21] =	ssyncset.done $0x0  }
0x95: {  	[sflag:s21] =	ssyncadd.s32 $0xFFFFC000  }
0x96: {  	[spmem:s1] =	stream.indirect.scatter.add.f32 [tilespmem:s18], [sflag:$0x4], $0x80, s17, s17, $0xb8;
	[tilespmem:$0x1FB80] =	vst v63  }
0x97: {  	_ =	swait.ge [sflag:s24], $0x4000  }
0x98: {  	[sflag:s24] =	ssyncset.done $0x0  }
0x99: {  	[sflag:s24] =	ssyncadd.s32 $0xFFFFC000  }
0x9a: {  	[spmem:s1] =	stream.indirect.scatter.add.f32 [tilespmem:s20], [sflag:$0x5], $0x80, s25, s17, $0xb8;
	[tilespmem:$0x1FB80] =	vst v63  }
0x9b: {  	_ =	swait.ge [sflag:s31], $0x4000  }
0x9c: {  	[sflag:s31] =	ssyncset.done $0x0  }
0x9d: {  	[sflag:s31] =	ssyncadd.s32 $0xFFFFC000  }
0x9e: {  	_ =	swait.ge [sflag:s26], $0x4000  }
0x9f: {  	[sflag:s26] =	ssyncset.done $0x0  }
0xa0: {  	[sflag:s26] =	ssyncadd.s32 $0xFFFFC000  }
0xa1: {  	_ =	swait.ge [sflag:s30], $0x4000  }
0xa2: {  	s0 =	sadd.s32 $0x1, s0;
	[sflag:s30] =	ssyncset.done $0x0  }
0xa3: {  	p1 =	sne.s32 s0, s9;
	[sflag:s30] =	ssyncadd.s32 $0xFFFFC000  }
.Ltmp1:
0xa4: {  	s2 =	simm.s32 @!p0 $0x7;
	[bflag:$0x0] =	sbarrier.arrive $0xFFFF;
	(pc) =	sbr.rel @p1 .LBB2_1-.Ltmp1, $4  }
0xa5: {  	[hbm:s8], [sflag:s14] =	dma.local @!p0 [spmem:s15], $0x3E80  }
0xa6: {  	_ =	swait.ge @!p0 [sflag:s2], $0x3E80  }
0xa7: {  	[sflag:s2] =	ssyncset.done @!p0 $0x0  }
0xa8: {  	[sflag:s2] =	ssyncadd.s32 @!p0 $0xFFFFC180  }
0xa9: {  	_ =	sfence.sel $0x180000  }
0xaa: {  	[bflag:$0x0] =	sbarrier.arrive $0xFFFF  }
0xab: {  	_ =	strace $0x9000004A  }
0xac: {  	s0 =	stileid.u32;
	[bflag:$0x2] =	sbarrier.arrive $0xFFFF  }
0xad: {  	p0 =	sne.s32 s0, $0x0;
	s0 =	rddreg [dreg:$0x3]  }
0xae: {  	s0 =	sadd.s32 @!p0 $0x100000, s0  }
0xaf: {  	[sflag:s0] =	ssyncadd.tile.s32 @!p0 $0x1;
	_ =	shalt  }
.Lfunc_end2:
_tile_overlayer_lowered:
.L_overlay_start_2:
0xb0: {  	(tag) =	ssettag $0x2  }
0xb1: {  	s0 =	rddreg [dreg:$0x0];
	s2 =	stileid.u32  }
0xb2: {  	s1 =	rddreg [dreg:$0x1];
	p0 =	sne.s32 s2, $0x0  }
0xb3: {  	s3 =	rddreg [dreg:$0x2];
	[bflag:$0x3] =	sbarrier.arrive $0xFFFF;
	s2 =	simm.s32 @!p0 $0x1C07  }
0xb4: {  	[timem:s3], [sflag:s2] =	dma.local @!p0 [hbm:s0], s1  }
0xb5: {  	s0 =	simm.s32 @!p0 $0x7  }
0xb6: {  	_ =	swait.ge @!p0 [sflag:s0], s1  }
0xb7: {  	s1 =	ssub.s32 @!p0 $0x0, s1;
	[sflag:s0] =	ssyncset.done @!p0 $0x0  }
0xb8: {  	[sflag:s0] =	ssyncadd.s32 @!p0 s1  }
0xb9: {  	[bflag:$0x3] =	sbarrier.arrive $0xFFFF  }
0xba: {  	_ =	shalt  }

</sc_bundles>
